<compile_context>
chip_gen: v7x
topology: tpu7x:2x2x1
jax: 0.10.2.dev20260603
libtpu: 0.0.44.dev20260713+nightly
codegen_flags: <defaults>
</compile_context>

<pallas_src>
import functools

import jax
import jax.numpy as jnp
from jax import lax
from jax.experimental import pallas as pl
from jax.experimental.pallas import tpu as pltpu
from jax.experimental.pallas import tpu_sc as plsc

N = 10000
G = 200
A = 128
H = 128

NW = 16
NPW = 640
NTAIL = N - (NW - 1) * NPW
SECPT = 768
SROWS = SECPT // 128
TRASHB = G * A
ACCSZ = TRASHB + NW * SECPT
ZSTRIPE = TRASHB // 16

_mesh = plsc.VectorSubcoreMesh(core_axis_name="c", subcore_axis_name="s",
                               num_cores=1)


@functools.partial(
    pl.kernel,
    mesh=_mesh,
    out_type=jax.ShapeDtypeStruct((ACCSZ,), jnp.float32),
    scratch_types=[
        pltpu.VMEM((SECPT,), jnp.int32),
        pltpu.VMEM((SECPT,), jnp.int32),
        pltpu.VMEM((SROWS, 128), jnp.int32),
        pltpu.VMEM((SROWS, 128), jnp.float32),
        pltpu.VMEM((ZSTRIPE,), jnp.float32),
        pltpu.VMEM_SHARED((ACCSZ,), jnp.float32),
        pltpu.SemaphoreType.DMA,
        pltpu.SemaphoreType.DMA,
    ],
)
def _reduce_k(batch_hbm, h_hbm, out_hbm,
              bt_v, h_v, idx_st, val_st, z_v, acc_sh, sem_in, sem_sc):
    s = lax.axis_index("s")
    wid = s
    base = wid * NPW

    @pl.when(wid != NW - 1)
    def _():
        pltpu.async_copy(batch_hbm.at[pl.ds(base, NPW)],
                         bt_v.at[pl.ds(0, NPW)], sem_in)
        pltpu.async_copy(h_hbm.at[pl.ds(base, NPW)],
                         h_v.at[pl.ds(0, NPW)], sem_in)

    @pl.when(wid == NW - 1)
    def _():
        pltpu.async_copy(batch_hbm.at[pl.ds((NW - 1) * NPW, NTAIL)],
                         bt_v.at[pl.ds(0, NTAIL)], sem_in)
        pltpu.async_copy(h_hbm.at[pl.ds((NW - 1) * NPW, NTAIL)],
                         h_v.at[pl.ds(0, NTAIL)], sem_in)

    zero16 = jnp.zeros((16,), jnp.float32)

    def _zb(k, _):
        z_v[pl.ds(k * 16, 16)] = zero16
        return _
    lax.fori_loop(0, ZSTRIPE // 16, _zb, None)
    pltpu.sync_copy(z_v, acc_sh.at[pl.ds(s * ZSTRIPE, ZSTRIPE)])

    lane = lax.iota(jnp.int32, 16)
    ones = jnp.full((16,), 1.0, jnp.float32)
    trash0 = TRASHB + wid * SECPT

    @pl.when(wid != NW - 1)
    def _():
        pltpu.make_async_copy(batch_hbm.at[pl.ds(base, NPW)],
                              bt_v.at[pl.ds(0, NPW)], sem_in).wait()
        pltpu.make_async_copy(h_hbm.at[pl.ds(base, NPW)],
                              h_v.at[pl.ds(0, NPW)], sem_in).wait()

    @pl.when(wid == NW - 1)
    def _():
        pltpu.make_async_copy(batch_hbm.at[pl.ds((NW - 1) * NPW, NTAIL)],
                              bt_v.at[pl.ds(0, NTAIL)], sem_in).wait()
        pltpu.make_async_copy(h_hbm.at[pl.ds((NW - 1) * NPW, NTAIL)],
                              h_v.at[pl.ds(0, NTAIL)], sem_in).wait()

    for r in range(SROWS):
        def _sb(k, _, r=r):
            ent = r * 128 + k * 16
            sl = pl.ds(ent, 16)
            nid = base + ent + lane
            ok = jnp.logical_and(nid < N, ent + lane < NPW)
            idx = jnp.where(ok, bt_v[sl] * A + h_v[sl], trash0 + ent + lane)
            col = pl.ds(k * 16, 16)
            idx_st[r, col] = idx
            val_st[r, col] = ones
            return _
        lax.fori_loop(0, 8, _sb, None)

    plsc.subcore_barrier()

    sc_cp = [pltpu.async_copy(val_st.at[rr], acc_sh.at[idx_st.at[rr]],
                              sem_sc, add=True) for rr in range(SROWS)]
    for cp in sc_cp:
        cp.wait()

    plsc.subcore_barrier()

    @pl.when(s == 0)
    def _():
        pltpu.sync_copy(acc_sh, out_hbm)


def _possum_body(bat_ref, post_ref, poss_ref):
    f32 = jnp.float32
    bf = jnp.bfloat16
    one_b = jnp.bfloat16(1.0)
    zero_b = jnp.bfloat16(0.0)
    bat_b = bat_ref[...].astype(bf)
    gcol = lax.broadcasted_iota(jnp.int32, (G, 1), 0).astype(bf)
    oh = jnp.where(bat_b[None, :] == gcol, one_b, zero_b)
    pch = post_ref[...]
    phi = pch.astype(bf)
    plo = (pch - phi.astype(f32)).astype(bf)
    phl = jnp.concatenate([phi, plo, jnp.zeros((2, N), bf)], axis=0)
    poss_ref[...] = lax.dot_general(phl, oh, (((1,), (1,)), ((), ())),
                                    preferred_element_type=f32)


_possum = pl.pallas_call(
    _possum_body,
    out_shape=jax.ShapeDtypeStruct((8, G), jnp.float32),
)


def _chain_body(st0_ref, poss_ref, bat_ref, emb_ref, win_ref,
                bin_ref, wc1_ref, bc1_ref, wc2_ref, bc2_ref, wc3_ref,
                bc3_ref, wo1_ref, bo1_ref, wo2_ref, bo2_ref, out_ref):
    f32 = jnp.float32
    bf = jnp.bfloat16
    st = st0_ref[...]
    hist = st[:G, :]
    cnt = jnp.sum(hist, axis=1, keepdims=True)
    inv = jnp.where(cnt > 0, 1.0 / cnt, 0.0)

    one_b = jnp.bfloat16(1.0)
    zero_b = jnp.bfloat16(0.0)
    bat_b = bat_ref[...].astype(bf)
    gcol = lax.broadcasted_iota(jnp.int32, (G, 1), 0).astype(bf)
    oh = jnp.where(bat_b[None, :] == gcol, one_b, zero_b)

    poss6 = poss_ref[...]
    pp = poss6[:3, :] + poss6[3:6, :]

    wemb = jnp.dot(emb_ref[...], win_ref[3:, :], preferred_element_type=f32)
    msum = (jnp.dot(hist, wemb, preferred_element_type=f32)
            + lax.dot_general(pp, win_ref[:3, :], (((0,), (0,)), ((), ())),
                              preferred_element_type=f32))
    x = msum * inv + bin_ref[...]
    for w_ref, b_ref in ((wc1_ref, bc1_ref), (wc2_ref, bc2_ref),
                         (wc3_ref, bc3_ref), (wo1_ref, bo1_ref)):
        x = jax.nn.silu(jnp.dot(x, w_ref[...], preferred_element_type=f32)
                        + b_ref[...])
    r = jnp.dot(x, wo2_ref[...], preferred_element_type=f32) + bo2_ref[...]

    rhi = r.astype(bf)
    rlo = (r - rhi.astype(f32)).astype(bf)
    rhl = jnp.concatenate([rhi, rlo, jnp.zeros((G, 2), bf)], axis=1)
    och = lax.dot_general(rhl, oh, (((0,), (0,)), ((), ())),
                          preferred_element_type=f32)
    out_ref[...] = och[:3, :] + och[3:6, :]


_chain = pl.pallas_call(
    _chain_body,
    out_shape=jax.ShapeDtypeStruct((3, N), jnp.float32),
)


def kernel(pos, h, batch, atom_embed, W_in, b_in, Wc1, bc1, Wc2, bc2,
           Wc3, bc3, Wo1, bo1, Wo2, bo2):
    bat32 = batch.astype(jnp.int32)
    st0 = _reduce_k(bat32, h.astype(jnp.int32))
    poss = _possum(bat32, pos.T)
    outt = _chain(st0.reshape(ACCSZ // 128, 128), poss, bat32, atom_embed,
                  W_in, b_in, Wc1, bc1, Wc2, bc2, Wc3, bc3, Wo1, bo1,
                  Wo2, bo2)
    return outt.T

# --- scband reference (transcript-rebuilt; emitter-appended) ---
"""Pipeline reference for scband-simple-score-gnn-49409303773517 (READ-ONLY COPY).

The authoritative reference and input builder live on the scoring server;
editing this copy changes nothing except your own understanding.
"""

import jax, jax.numpy as jnp
import numpy as np

N = 10000
H = 128
A = 128
G = 200


def _gcn_conv(x, batch, W, b, num_groups):
    ones = jnp.ones(batch.shape[0], x.dtype)
    counts = jax.ops.segment_sum(ones, batch, num_segments=num_groups)
    ginv = jnp.where(counts > 0, counts ** -0.5, 0.0)
    dinv = ginv[batch]
    hx = x @ W
    msg = hx * (dinv * dinv)[:, None]
    agg = jax.ops.segment_sum(msg, batch, num_segments=num_groups)
    return agg[batch] + b


def setup_inputs(seed: int = 0) -> dict:
    key = jax.random.key(seed)
    ks = jax.random.split(key, 16)
    pos = jax.random.normal(ks[0], (N, 3), dtype=jnp.float32)
    h = jax.random.randint(ks[1], (N,), 0, A)
    batch = jnp.sort(jax.random.randint(ks[2], (N,), 0, G))
    sH = 1.0 / np.sqrt(H)
    sI = 1.0 / np.sqrt(H + 3)
    inp = {
        "pos": pos,
        "h": h,
        "batch": batch,
        "atom_embed": jax.random.normal(ks[3], (A, H), dtype=jnp.float32),
        "W_in": jax.random.uniform(ks[4], (H + 3, H), jnp.float32, -sI, sI),
        "b_in": jnp.zeros((H,), jnp.float32),
        "Wc1": jax.random.uniform(ks[5], (H, H), jnp.float32, -sH, sH),
        "bc1": jnp.zeros((H,), jnp.float32),
        "Wc2": jax.random.uniform(ks[6], (H, H), jnp.float32, -sH, sH),
        "bc2": jnp.zeros((H,), jnp.float32),
        "Wc3": jax.random.uniform(ks[7], (H, H), jnp.float32, -sH, sH),
        "bc3": jnp.zeros((H,), jnp.float32),
        "Wo1": jax.random.uniform(ks[8], (H, H), jnp.float32, -sH, sH),
        "bo1": jnp.zeros((H,), jnp.float32),
        "Wo2": jax.random.uniform(ks[9], (H, 3), jnp.float32, -sH, sH),
        "bo2": jnp.zeros((3,), jnp.float32),
    }
    return inp


def reference(pos, h, batch, atom_embed, W_in, b_in, Wc1, bc1, Wc2, bc2, Wc3, bc3, Wo1, bo1, Wo2, bo2):
    x = jnp.concatenate([pos, atom_embed[h]], axis=-1)
    x = x @ W_in + b_in
    for W, b in ((Wc1, bc1), (Wc2, bc2), (Wc3, bc3)):
        x = _gcn_conv(x, batch, W, b, G)
        x = jax.nn.silu(x)
    x = x @ Wo1 + bo1
    x = jax.nn.silu(x)
    return x @ Wo2 + bo2

if __name__ == "__main__":
    import jax
    _d = setup_inputs()
    print(jax.jit(kernel)(*tuple(_d.values())))

</pallas_src>

<mosaic_0001>
#map = affine_map<(d0, d1) -> (0)>
module attributes {stable_mosaic.version = 14 : i64} {
  func.func @_reduce_k(%arg0: i32, %arg1: i32, %arg2: memref<10000xi32, #tpu.memory_space<hbm>>, %arg3: memref<10000xi32, #tpu.memory_space<hbm>>, %arg4: memref<37888xf32, #tpu.memory_space<hbm>>, %arg5: memref<768xi32, #tpu.memory_space<vmem>>, %arg6: memref<768xi32, #tpu.memory_space<vmem>>, %arg7: memref<6x128xi32, #tpu.memory_space<vmem>>, %arg8: memref<6x128xf32, #tpu.memory_space<vmem>>, %arg9: memref<1600xf32, #tpu.memory_space<vmem>>, %arg10: memref<37888xf32, #tpu.memory_space<vmem_shared>>, %arg11: memref<!tpu.dma_semaphore, #tpu.memory_space<semaphore_mem>>, %arg12: memref<!tpu.dma_semaphore, #tpu.memory_space<semaphore_mem>>) attributes {dimension_semantics = [#tpu.dimension_semantics<core_parallel>, #tpu.dimension_semantics<subcore_parallel>], iteration_bounds = array<i64: 1, 16>, scalar_prefetch = 0 : i64, scratch_operands = 8 : i64, tpu.core_type = #tpu.core_type<sc_vector_subcore>, window_params = [{transform_indices = #map}, {transform_indices = #map}, {transform_indices = #map}]} {
    %mul3A = arith.constant 640 : i32
    %mul3A_0 = arith.muli %arg1, %mul3A : i32
    %ne3A = arith.constant 15 : i32
    %ne3A_1 = arith.cmpi ne, %arg1, %ne3A : i32
    %convert_element_type3A = arith.extui %ne3A_1 : i1 to i32
    %cond3A = arith.constant 0 : i32
    %cond3A_2 = arith.cmpi ne, %convert_element_type3A, %cond3A : i32
    scf.if %cond3A_2 {
      %dma_start3A_183 = arith.constant 0 : i32
      %dma_start3A_184 = tpu.memref_slice %arg5[%dma_start3A_183] : memref<768xi32, #tpu.memory_space<vmem>> -> memref<640xi32, #tpu.memory_space<vmem>>
      %dma_start3A_185 = tpu.memref_slice %arg2[%mul3A_0] : memref<10000xi32, #tpu.memory_space<hbm>> -> memref<640xi32, #tpu.memory_space<hbm>>
      %dma_start3A_186 = arith.constant 0 : i32
      %dma_start3A_187 = tpu.memref_slice %arg5[%dma_start3A_186] : memref<768xi32, #tpu.memory_space<vmem>> -> memref<640xi32, #tpu.memory_space<vmem>>
      %dma_start3A_188 = tpu.memref_slice %arg2[%mul3A_0] : memref<10000xi32, #tpu.memory_space<hbm>> -> memref<640xi32, #tpu.memory_space<hbm>>
      tpu.enqueue_dma source(%dma_start3A_188 : memref<640xi32, #tpu.memory_space<hbm>>) target(%dma_start3A_187 : memref<640xi32, #tpu.memory_space<vmem>>) target_semaphore(%arg11 : memref<!tpu.dma_semaphore, #tpu.memory_space<semaphore_mem>>)
      %dma_start3A_189 = arith.constant 0 : i32
      %dma_start3A_190 = tpu.memref_slice %arg6[%dma_start3A_189] : memref<768xi32, #tpu.memory_space<vmem>> -> memref<640xi32, #tpu.memory_space<vmem>>
      %dma_start3A_191 = tpu.memref_slice %arg3[%mul3A_0] : memref<10000xi32, #tpu.memory_space<hbm>> -> memref<640xi32, #tpu.memory_space<hbm>>
      %dma_start3A_192 = arith.constant 0 : i32
      %dma_start3A_193 = tpu.memref_slice %arg6[%dma_start3A_192] : memref<768xi32, #tpu.memory_space<vmem>> -> memref<640xi32, #tpu.memory_space<vmem>>
      %dma_start3A_194 = tpu.memref_slice %arg3[%mul3A_0] : memref<10000xi32, #tpu.memory_space<hbm>> -> memref<640xi32, #tpu.memory_space<hbm>>
      tpu.enqueue_dma source(%dma_start3A_194 : memref<640xi32, #tpu.memory_space<hbm>>) target(%dma_start3A_193 : memref<640xi32, #tpu.memory_space<vmem>>) target_semaphore(%arg11 : memref<!tpu.dma_semaphore, #tpu.memory_space<semaphore_mem>>)
    } else {
    }
    %eq3A = arith.constant 15 : i32
    %eq3A_3 = arith.cmpi eq, %arg1, %eq3A : i32
    %convert_element_type3A_4 = arith.extui %eq3A_3 : i1 to i32
    %cond3A_5 = arith.constant 0 : i32
    %cond3A_6 = arith.cmpi ne, %convert_element_type3A_4, %cond3A_5 : i32
    scf.if %cond3A_6 {
      %dma_start3A_183 = arith.constant 0 : i32
      %dma_start3A_184 = tpu.memref_slice %arg5[%dma_start3A_183] : memref<768xi32, #tpu.memory_space<vmem>> -> memref<400xi32, #tpu.memory_space<vmem>>
      %dma_start3A_185 = arith.constant 9600 : i32
      %dma_start3A_186 = tpu.memref_slice %arg2[%dma_start3A_185] : memref<10000xi32, #tpu.memory_space<hbm>> -> memref<400xi32, #tpu.memory_space<hbm>>
      %dma_start3A_187 = arith.constant 0 : i32
      %dma_start3A_188 = tpu.memref_slice %arg5[%dma_start3A_187] : memref<768xi32, #tpu.memory_space<vmem>> -> memref<400xi32, #tpu.memory_space<vmem>>
      %dma_start3A_189 = arith.constant 9600 : i32
      %dma_start3A_190 = tpu.memref_slice %arg2[%dma_start3A_189] : memref<10000xi32, #tpu.memory_space<hbm>> -> memref<400xi32, #tpu.memory_space<hbm>>
      tpu.enqueue_dma source(%dma_start3A_190 : memref<400xi32, #tpu.memory_space<hbm>>) target(%dma_start3A_188 : memref<400xi32, #tpu.memory_space<vmem>>) target_semaphore(%arg11 : memref<!tpu.dma_semaphore, #tpu.memory_space<semaphore_mem>>)
      %dma_start3A_191 = arith.constant 0 : i32
      %dma_start3A_192 = tpu.memref_slice %arg6[%dma_start3A_191] : memref<768xi32, #tpu.memory_space<vmem>> -> memref<400xi32, #tpu.memory_space<vmem>>
      %dma_start3A_193 = arith.constant 9600 : i32
      %dma_start3A_194 = tpu.memref_slice %arg3[%dma_start3A_193] : memref<10000xi32, #tpu.memory_space<hbm>> -> memref<400xi32, #tpu.memory_space<hbm>>
      %dma_start3A_195 = arith.constant 0 : i32
      %dma_start3A_196 = tpu.memref_slice %arg6[%dma_start3A_195] : memref<768xi32, #tpu.memory_space<vmem>> -> memref<400xi32, #tpu.memory_space<vmem>>
      %dma_start3A_197 = arith.constant 9600 : i32
      %dma_start3A_198 = tpu.memref_slice %arg3[%dma_start3A_197] : memref<10000xi32, #tpu.memory_space<hbm>> -> memref<400xi32, #tpu.memory_space<hbm>>
      tpu.enqueue_dma source(%dma_start3A_198 : memref<400xi32, #tpu.memory_space<hbm>>) target(%dma_start3A_196 : memref<400xi32, #tpu.memory_space<vmem>>) target_semaphore(%arg11 : memref<!tpu.dma_semaphore, #tpu.memory_space<semaphore_mem>>)
    } else {
    }
    %broadcast_in_dim3A = arith.constant 0.000000e+00 : f32
    %broadcast_in_dim3A_7 = vector.broadcast %broadcast_in_dim3A : f32 to vector<16xf32>
    %scan3A = arith.constant 0 : i32
    %scan3A_8 = arith.constant 100 : i32
    %scan3A_9 = arith.addi %scan3A, %scan3A_8 : i32
    %scan3A_10 = arith.constant 1 : i32
    scf.for %scan3A_183 = %scan3A to %scan3A_9 step %scan3A_10  : i32 {
      %mul3A_184 = arith.constant 16 : i32
      %mul3A_185 = arith.muli %scan3A_183, %mul3A_184 : i32
      %swap3A = arith.index_cast %mul3A_185 : i32 to index
      %swap3A_186 = tpu.vector_load %arg9[%swap3A] {strides = array<i32>} : memref<1600xf32, #tpu.memory_space<vmem>>, vector<16xf32>,
      %swap3A_187 = vector.shape_cast %swap3A_186 : vector<16xf32> to vector<16xf32>
      %swap3A_188 = vector.shape_cast %broadcast_in_dim3A_7 : vector<16xf32> to vector<16xf32>
      tpu.vector_store %arg9[%swap3A], %swap3A_188 {strides = array<i32>} : memref<1600xf32, #tpu.memory_space<vmem>>, vector<16xf32>,
    }
    %scan3A_11 = arith.constant 100 : i32
    %mul3A_12 = arith.constant 1600 : i32
    %mul3A_13 = arith.muli %arg1, %mul3A_12 : i32
    "tpu.region"() ({
      %run_scoped3A = tpu.sem_alloc : memref<!tpu.dma_semaphore, #tpu.memory_space<semaphore_mem>>
      %dma_start3A_183 = tpu.memref_slice %arg10[%mul3A_13] : memref<37888xf32, #tpu.memory_space<vmem_shared>> -> memref<1600xf32, #tpu.memory_space<vmem_shared>>
      %dma_start3A_184 = tpu.memref_slice %arg10[%mul3A_13] : memref<37888xf32, #tpu.memory_space<vmem_shared>> -> memref<1600xf32, #tpu.memory_space<vmem_shared>>
      tpu.enqueue_dma source(%arg9 : memref<1600xf32, #tpu.memory_space<vmem>>) target(%dma_start3A_184 : memref<1600xf32, #tpu.memory_space<vmem_shared>>) target_semaphore(%run_scoped3A : memref<!tpu.dma_semaphore, #tpu.memory_space<semaphore_mem>>)
      %dma_wait3A_185 = tpu.memref_slice %arg10[%mul3A_13] : memref<37888xf32, #tpu.memory_space<vmem_shared>> -> memref<1600xf32, #tpu.memory_space<vmem_shared>>
      %dma_wait3A_186 = tpu.memref_slice %arg10[%mul3A_13] : memref<37888xf32, #tpu.memory_space<vmem_shared>> -> memref<1600xf32, #tpu.memory_space<vmem_shared>>
      tpu.wait_dma2 semaphore(%run_scoped3A : memref<!tpu.dma_semaphore, #tpu.memory_space<semaphore_mem>>) src(%arg9 : memref<1600xf32, #tpu.memory_space<vmem>>) dst(%dma_wait3A_186 : memref<1600xf32, #tpu.memory_space<vmem_shared>>)
      tpu.yield
    }) : () -> ()
    %iota3A = tpu.iota {dimensions = array<i32: 0>} : vector<16xi32>
    %broadcast_in_dim3A_14 = arith.constant 1.000000e+00 : f32
    %broadcast_in_dim3A_15 = vector.broadcast %broadcast_in_dim3A_14 : f32 to vector<16xf32>
    %mul3A_16 = arith.constant 768 : i32
    %mul3A_17 = arith.muli %arg1, %mul3A_16 : i32
    %add3A = arith.constant 25600 : i32
    %add3A_18 = arith.addi %add3A, %mul3A_17 : i32
    %ne3A_19 = arith.constant 15 : i32
    %ne3A_20 = arith.cmpi ne, %arg1, %ne3A_19 : i32
    %convert_element_type3A_21 = arith.extui %ne3A_20 : i1 to i32
    %cond3A_22 = arith.constant 0 : i32
    %cond3A_23 = arith.cmpi ne, %convert_element_type3A_21, %cond3A_22 : i32
    scf.if %cond3A_23 {
      %dma_wait3A_183 = arith.constant 0 : i32
      %dma_wait3A_184 = tpu.memref_slice %arg5[%dma_wait3A_183] : memref<768xi32, #tpu.memory_space<vmem>> -> memref<640xi32, #tpu.memory_space<vmem>>
      %dma_wait3A_185 = tpu.memref_slice %arg2[%mul3A_0] : memref<10000xi32, #tpu.memory_space<hbm>> -> memref<640xi32, #tpu.memory_space<hbm>>
      %dma_wait3A_186 = arith.constant 0 : i32
      %dma_wait3A_187 = tpu.memref_slice %arg5[%dma_wait3A_186] : memref<768xi32, #tpu.memory_space<vmem>> -> memref<640xi32, #tpu.memory_space<vmem>>
      %dma_wait3A_188 = tpu.memref_slice %arg2[%mul3A_0] : memref<10000xi32, #tpu.memory_space<hbm>> -> memref<640xi32, #tpu.memory_space<hbm>>
      tpu.wait_dma2 semaphore(%arg11 : memref<!tpu.dma_semaphore, #tpu.memory_space<semaphore_mem>>) src(%dma_wait3A_188 : memref<640xi32, #tpu.memory_space<hbm>>) dst(%dma_wait3A_187 : memref<640xi32, #tpu.memory_space<vmem>>)
      %dma_wait3A_189 = arith.constant 0 : i32
      %dma_wait3A_190 = tpu.memref_slice %arg6[%dma_wait3A_189] : memref<768xi32, #tpu.memory_space<vmem>> -> memref<640xi32, #tpu.memory_space<vmem>>
      %dma_wait3A_191 = tpu.memref_slice %arg3[%mul3A_0] : memref<10000xi32, #tpu.memory_space<hbm>> -> memref<640xi32, #tpu.memory_space<hbm>>
      %dma_wait3A_192 = arith.constant 0 : i32
      %dma_wait3A_193 = tpu.memref_slice %arg6[%dma_wait3A_192] : memref<768xi32, #tpu.memory_space<vmem>> -> memref<640xi32, #tpu.memory_space<vmem>>
      %dma_wait3A_194 = tpu.memref_slice %arg3[%mul3A_0] : memref<10000xi32, #tpu.memory_space<hbm>> -> memref<640xi32, #tpu.memory_space<hbm>>
      tpu.wait_dma2 semaphore(%arg11 : memref<!tpu.dma_semaphore, #tpu.memory_space<semaphore_mem>>) src(%dma_wait3A_194 : memref<640xi32, #tpu.memory_space<hbm>>) dst(%dma_wait3A_193 : memref<640xi32, #tpu.memory_space<vmem>>)
    } else {
    }
    %eq3A_24 = arith.constant 15 : i32
    %eq3A_25 = arith.cmpi eq, %arg1, %eq3A_24 : i32
    %convert_element_type3A_26 = arith.extui %eq3A_25 : i1 to i32
    %cond3A_27 = arith.constant 0 : i32
    %cond3A_28 = arith.cmpi ne, %convert_element_type3A_26, %cond3A_27 : i32
    scf.if %cond3A_28 {
      %dma_wait3A_183 = arith.constant 0 : i32
      %dma_wait3A_184 = tpu.memref_slice %arg5[%dma_wait3A_183] : memref<768xi32, #tpu.memory_space<vmem>> -> memref<400xi32, #tpu.memory_space<vmem>>
      %dma_wait3A_185 = arith.constant 9600 : i32
      %dma_wait3A_186 = tpu.memref_slice %arg2[%dma_wait3A_185] : memref<10000xi32, #tpu.memory_space<hbm>> -> memref<400xi32, #tpu.memory_space<hbm>>
      %dma_wait3A_187 = arith.constant 0 : i32
      %dma_wait3A_188 = tpu.memref_slice %arg5[%dma_wait3A_187] : memref<768xi32, #tpu.memory_space<vmem>> -> memref<400xi32, #tpu.memory_space<vmem>>
      %dma_wait3A_189 = arith.constant 9600 : i32
      %dma_wait3A_190 = tpu.memref_slice %arg2[%dma_wait3A_189] : memref<10000xi32, #tpu.memory_space<hbm>> -> memref<400xi32, #tpu.memory_space<hbm>>
      tpu.wait_dma2 semaphore(%arg11 : memref<!tpu.dma_semaphore, #tpu.memory_space<semaphore_mem>>) src(%dma_wait3A_190 : memref<400xi32, #tpu.memory_space<hbm>>) dst(%dma_wait3A_188 : memref<400xi32, #tpu.memory_space<vmem>>)
      %dma_wait3A_191 = arith.constant 0 : i32
      %dma_wait3A_192 = tpu.memref_slice %arg6[%dma_wait3A_191] : memref<768xi32, #tpu.memory_space<vmem>> -> memref<400xi32, #tpu.memory_space<vmem>>
      %dma_wait3A_193 = arith.constant 9600 : i32
      %dma_wait3A_194 = tpu.memref_slice %arg3[%dma_wait3A_193] : memref<10000xi32, #tpu.memory_space<hbm>> -> memref<400xi32, #tpu.memory_space<hbm>>
      %dma_wait3A_195 = arith.constant 0 : i32
      %dma_wait3A_196 = tpu.memref_slice %arg6[%dma_wait3A_195] : memref<768xi32, #tpu.memory_space<vmem>> -> memref<400xi32, #tpu.memory_space<vmem>>
      %dma_wait3A_197 = arith.constant 9600 : i32
      %dma_wait3A_198 = tpu.memref_slice %arg3[%dma_wait3A_197] : memref<10000xi32, #tpu.memory_space<hbm>> -> memref<400xi32, #tpu.memory_space<hbm>>
      tpu.wait_dma2 semaphore(%arg11 : memref<!tpu.dma_semaphore, #tpu.memory_space<semaphore_mem>>) src(%dma_wait3A_198 : memref<400xi32, #tpu.memory_space<hbm>>) dst(%dma_wait3A_196 : memref<400xi32, #tpu.memory_space<vmem>>)
    } else {
    }
    %scan3A_29 = arith.constant 0 : i32
    %scan3A_30 = arith.constant 8 : i32
    %scan3A_31 = arith.addi %scan3A_29, %scan3A_30 : i32
    %scan3A_32 = arith.constant 1 : i32
    scf.for %scan3A_183 = %scan3A_29 to %scan3A_31 step %scan3A_32  : i32 {
      %mul3A_184 = arith.constant 16 : i32
      %mul3A_185 = arith.muli %scan3A_183, %mul3A_184 : i32
      %add3A_186 = arith.constant 0 : i32
      %add3A_187 = arith.addi %add3A_186, %mul3A_185 : i32
      %add3A_188 = arith.addi %mul3A_0, %add3A_187 : i32
      %add3A_189 = vector.broadcast %add3A_188 : i32 to vector<16xi32>
      %add3A_190 = arith.addi %add3A_189, %iota3A : vector<16xi32>
      %lt3A = arith.constant 10000 : i32
      %lt3A_191 = vector.broadcast %lt3A : i32 to vector<16xi32>
      %lt3A_192 = arith.cmpi slt, %add3A_190, %lt3A_191 : vector<16xi32>
      %add3A_193 = vector.broadcast %add3A_187 : i32 to vector<16xi32>
      %add3A_194 = arith.addi %add3A_193, %iota3A : vector<16xi32>
      %lt3A_195 = arith.constant 640 : i32
      %lt3A_196 = vector.broadcast %lt3A_195 : i32 to vector<16xi32>
      %lt3A_197 = arith.cmpi slt, %add3A_194, %lt3A_196 : vector<16xi32>
      %and3A = arith.andi %lt3A_192, %lt3A_197 : vector<16xi1>
      %get3A = arith.index_cast %add3A_187 : i32 to index
      %get3A_198 = tpu.vector_load %arg5[%get3A] {strides = array<i32>} : memref<768xi32, #tpu.memory_space<vmem>>, vector<16xi32>,
      %get3A_199 = vector.shape_cast %get3A_198 : vector<16xi32> to vector<16xi32>
      %mul3A_200 = arith.constant 128 : i32
      %mul3A_201 = vector.broadcast %mul3A_200 : i32 to vector<16xi32>
      %mul3A_202 = arith.muli %get3A_199, %mul3A_201 : vector<16xi32>
      %get3A_203 = arith.index_cast %add3A_187 : i32 to index
      %get3A_204 = tpu.vector_load %arg6[%get3A_203] {strides = array<i32>} : memref<768xi32, #tpu.memory_space<vmem>>, vector<16xi32>,
      %get3A_205 = vector.shape_cast %get3A_204 : vector<16xi32> to vector<16xi32>
      %add3A_206 = arith.addi %mul3A_202, %get3A_205 : vector<16xi32>
      %add3A_207 = arith.addi %add3A_18, %add3A_187 : i32
      %add3A_208 = vector.broadcast %add3A_207 : i32 to vector<16xi32>
      %add3A_209 = arith.addi %add3A_208, %iota3A : vector<16xi32>
      %select_n3A = arith.select %and3A, %add3A_206, %add3A_209 : vector<16xi1>, vector<16xi32>
      %mul3A_210 = arith.constant 16 : i32
      %mul3A_211 = arith.muli %scan3A_183, %mul3A_210 : i32
      %swap3A = arith.constant 0 : i32
      %swap3A_212 = arith.index_cast %swap3A : i32 to index
      %swap3A_213 = arith.index_cast %mul3A_211 : i32 to index
      %swap3A_214 = tpu.vector_load %arg7[%swap3A_212, %swap3A_213] {strides = array<i32>} : memref<6x128xi32, #tpu.memory_space<vmem>>, vector<1x16xi32>,
      %swap3A_215 = vector.shape_cast %swap3A_214 : vector<1x16xi32> to vector<16xi32>
      %swap3A_216 = vector.shape_cast %select_n3A : vector<16xi32> to vector<1x16xi32>
      tpu.vector_store %arg7[%swap3A_212, %swap3A_213], %swap3A_216 {strides = array<i32>} : memref<6x128xi32, #tpu.memory_space<vmem>>, vector<1x16xi32>,
      %swap3A_217 = arith.constant 0 : i32
      %swap3A_218 = arith.index_cast %swap3A_217 : i32 to index
      %swap3A_219 = arith.index_cast %mul3A_211 : i32 to index
      %swap3A_220 = tpu.vector_load %arg8[%swap3A_218, %swap3A_219] {strides = array<i32>} : memref<6x128xf32, #tpu.memory_space<vmem>>, vector<1x16xf32>,
      %swap3A_221 = vector.shape_cast %swap3A_220 : vector<1x16xf32> to vector<16xf32>
      %swap3A_222 = vector.shape_cast %broadcast_in_dim3A_15 : vector<16xf32> to vector<1x16xf32>
      tpu.vector_store %arg8[%swap3A_218, %swap3A_219], %swap3A_222 {strides = array<i32>} : memref<6x128xf32, #tpu.memory_space<vmem>>, vector<1x16xf32>,
    }
    %scan3A_33 = arith.constant 8 : i32
    %scan3A_34 = arith.constant 0 : i32
    %scan3A_35 = arith.constant 8 : i32
    %scan3A_36 = arith.addi %scan3A_34, %scan3A_35 : i32
    %scan3A_37 = arith.constant 1 : i32
    scf.for %scan3A_183 = %scan3A_34 to %scan3A_36 step %scan3A_37  : i32 {
      %mul3A_184 = arith.constant 16 : i32
      %mul3A_185 = arith.muli %scan3A_183, %mul3A_184 : i32
      %add3A_186 = arith.constant 128 : i32
      %add3A_187 = arith.addi %add3A_186, %mul3A_185 : i32
      %add3A_188 = arith.addi %mul3A_0, %add3A_187 : i32
      %add3A_189 = vector.broadcast %add3A_188 : i32 to vector<16xi32>
      %add3A_190 = arith.addi %add3A_189, %iota3A : vector<16xi32>
      %lt3A = arith.constant 10000 : i32
      %lt3A_191 = vector.broadcast %lt3A : i32 to vector<16xi32>
      %lt3A_192 = arith.cmpi slt, %add3A_190, %lt3A_191 : vector<16xi32>
      %add3A_193 = vector.broadcast %add3A_187 : i32 to vector<16xi32>
      %add3A_194 = arith.addi %add3A_193, %iota3A : vector<16xi32>
      %lt3A_195 = arith.constant 640 : i32
      %lt3A_196 = vector.broadcast %lt3A_195 : i32 to vector<16xi32>
      %lt3A_197 = arith.cmpi slt, %add3A_194, %lt3A_196 : vector<16xi32>
      %and3A = arith.andi %lt3A_192, %lt3A_197 : vector<16xi1>
      %get3A = arith.index_cast %add3A_187 : i32 to index
      %get3A_198 = tpu.vector_load %arg5[%get3A] {strides = array<i32>} : memref<768xi32, #tpu.memory_space<vmem>>, vector<16xi32>,
      %get3A_199 = vector.shape_cast %get3A_198 : vector<16xi32> to vector<16xi32>
      %mul3A_200 = arith.constant 128 : i32
      %mul3A_201 = vector.broadcast %mul3A_200 : i32 to vector<16xi32>
      %mul3A_202 = arith.muli %get3A_199, %mul3A_201 : vector<16xi32>
      %get3A_203 = arith.index_cast %add3A_187 : i32 to index
      %get3A_204 = tpu.vector_load %arg6[%get3A_203] {strides = array<i32>} : memref<768xi32, #tpu.memory_space<vmem>>, vector<16xi32>,
      %get3A_205 = vector.shape_cast %get3A_204 : vector<16xi32> to vector<16xi32>
      %add3A_206 = arith.addi %mul3A_202, %get3A_205 : vector<16xi32>
      %add3A_207 = arith.addi %add3A_18, %add3A_187 : i32
      %add3A_208 = vector.broadcast %add3A_207 : i32 to vector<16xi32>
      %add3A_209 = arith.addi %add3A_208, %iota3A : vector<16xi32>
      %select_n3A = arith.select %and3A, %add3A_206, %add3A_209 : vector<16xi1>, vector<16xi32>
      %mul3A_210 = arith.constant 16 : i32
      %mul3A_211 = arith.muli %scan3A_183, %mul3A_210 : i32
      %swap3A = arith.constant 1 : i32
      %swap3A_212 = arith.index_cast %swap3A : i32 to index
      %swap3A_213 = arith.index_cast %mul3A_211 : i32 to index
      %swap3A_214 = tpu.vector_load %arg7[%swap3A_212, %swap3A_213] {strides = array<i32>} : memref<6x128xi32, #tpu.memory_space<vmem>>, vector<1x16xi32>,
      %swap3A_215 = vector.shape_cast %swap3A_214 : vector<1x16xi32> to vector<16xi32>
      %swap3A_216 = vector.shape_cast %select_n3A : vector<16xi32> to vector<1x16xi32>
      tpu.vector_store %arg7[%swap3A_212, %swap3A_213], %swap3A_216 {strides = array<i32>} : memref<6x128xi32, #tpu.memory_space<vmem>>, vector<1x16xi32>,
      %swap3A_217 = arith.constant 1 : i32
      %swap3A_218 = arith.index_cast %swap3A_217 : i32 to index
      %swap3A_219 = arith.index_cast %mul3A_211 : i32 to index
      %swap3A_220 = tpu.vector_load %arg8[%swap3A_218, %swap3A_219] {strides = array<i32>} : memref<6x128xf32, #tpu.memory_space<vmem>>, vector<1x16xf32>,
      %swap3A_221 = vector.shape_cast %swap3A_220 : vector<1x16xf32> to vector<16xf32>
      %swap3A_222 = vector.shape_cast %broadcast_in_dim3A_15 : vector<16xf32> to vector<1x16xf32>
      tpu.vector_store %arg8[%swap3A_218, %swap3A_219], %swap3A_222 {strides = array<i32>} : memref<6x128xf32, #tpu.memory_space<vmem>>, vector<1x16xf32>,
    }
    %scan3A_38 = arith.constant 8 : i32
    %scan3A_39 = arith.constant 0 : i32
    %scan3A_40 = arith.constant 8 : i32
    %scan3A_41 = arith.addi %scan3A_39, %scan3A_40 : i32
    %scan3A_42 = arith.constant 1 : i32
    scf.for %scan3A_183 = %scan3A_39 to %scan3A_41 step %scan3A_42  : i32 {
      %mul3A_184 = arith.constant 16 : i32
      %mul3A_185 = arith.muli %scan3A_183, %mul3A_184 : i32
      %add3A_186 = arith.constant 256 : i32
      %add3A_187 = arith.addi %add3A_186, %mul3A_185 : i32
      %add3A_188 = arith.addi %mul3A_0, %add3A_187 : i32
      %add3A_189 = vector.broadcast %add3A_188 : i32 to vector<16xi32>
      %add3A_190 = arith.addi %add3A_189, %iota3A : vector<16xi32>
      %lt3A = arith.constant 10000 : i32
      %lt3A_191 = vector.broadcast %lt3A : i32 to vector<16xi32>
      %lt3A_192 = arith.cmpi slt, %add3A_190, %lt3A_191 : vector<16xi32>
      %add3A_193 = vector.broadcast %add3A_187 : i32 to vector<16xi32>
      %add3A_194 = arith.addi %add3A_193, %iota3A : vector<16xi32>
      %lt3A_195 = arith.constant 640 : i32
      %lt3A_196 = vector.broadcast %lt3A_195 : i32 to vector<16xi32>
      %lt3A_197 = arith.cmpi slt, %add3A_194, %lt3A_196 : vector<16xi32>
      %and3A = arith.andi %lt3A_192, %lt3A_197 : vector<16xi1>
      %get3A = arith.index_cast %add3A_187 : i32 to index
      %get3A_198 = tpu.vector_load %arg5[%get3A] {strides = array<i32>} : memref<768xi32, #tpu.memory_space<vmem>>, vector<16xi32>,
      %get3A_199 = vector.shape_cast %get3A_198 : vector<16xi32> to vector<16xi32>
      %mul3A_200 = arith.constant 128 : i32
      %mul3A_201 = vector.broadcast %mul3A_200 : i32 to vector<16xi32>
      %mul3A_202 = arith.muli %get3A_199, %mul3A_201 : vector<16xi32>
      %get3A_203 = arith.index_cast %add3A_187 : i32 to index
      %get3A_204 = tpu.vector_load %arg6[%get3A_203] {strides = array<i32>} : memref<768xi32, #tpu.memory_space<vmem>>, vector<16xi32>,
      %get3A_205 = vector.shape_cast %get3A_204 : vector<16xi32> to vector<16xi32>
      %add3A_206 = arith.addi %mul3A_202, %get3A_205 : vector<16xi32>
      %add3A_207 = arith.addi %add3A_18, %add3A_187 : i32
      %add3A_208 = vector.broadcast %add3A_207 : i32 to vector<16xi32>
      %add3A_209 = arith.addi %add3A_208, %iota3A : vector<16xi32>
      %select_n3A = arith.select %and3A, %add3A_206, %add3A_209 : vector<16xi1>, vector<16xi32>
      %mul3A_210 = arith.constant 16 : i32
      %mul3A_211 = arith.muli %scan3A_183, %mul3A_210 : i32
      %swap3A = arith.constant 2 : i32
      %swap3A_212 = arith.index_cast %swap3A : i32 to index
      %swap3A_213 = arith.index_cast %mul3A_211 : i32 to index
      %swap3A_214 = tpu.vector_load %arg7[%swap3A_212, %swap3A_213] {strides = array<i32>} : memref<6x128xi32, #tpu.memory_space<vmem>>, vector<1x16xi32>,
      %swap3A_215 = vector.shape_cast %swap3A_214 : vector<1x16xi32> to vector<16xi32>
      %swap3A_216 = vector.shape_cast %select_n3A : vector<16xi32> to vector<1x16xi32>
      tpu.vector_store %arg7[%swap3A_212, %swap3A_213], %swap3A_216 {strides = array<i32>} : memref<6x128xi32, #tpu.memory_space<vmem>>, vector<1x16xi32>,
      %swap3A_217 = arith.constant 2 : i32
      %swap3A_218 = arith.index_cast %swap3A_217 : i32 to index
      %swap3A_219 = arith.index_cast %mul3A_211 : i32 to index
      %swap3A_220 = tpu.vector_load %arg8[%swap3A_218, %swap3A_219] {strides = array<i32>} : memref<6x128xf32, #tpu.memory_space<vmem>>, vector<1x16xf32>,
      %swap3A_221 = vector.shape_cast %swap3A_220 : vector<1x16xf32> to vector<16xf32>
      %swap3A_222 = vector.shape_cast %broadcast_in_dim3A_15 : vector<16xf32> to vector<1x16xf32>
      tpu.vector_store %arg8[%swap3A_218, %swap3A_219], %swap3A_222 {strides = array<i32>} : memref<6x128xf32, #tpu.memory_space<vmem>>, vector<1x16xf32>,
    }
    %scan3A_43 = arith.constant 8 : i32
    %scan3A_44 = arith.constant 0 : i32
    %scan3A_45 = arith.constant 8 : i32
    %scan3A_46 = arith.addi %scan3A_44, %scan3A_45 : i32
    %scan3A_47 = arith.constant 1 : i32
    scf.for %scan3A_183 = %scan3A_44 to %scan3A_46 step %scan3A_47  : i32 {
      %mul3A_184 = arith.constant 16 : i32
      %mul3A_185 = arith.muli %scan3A_183, %mul3A_184 : i32
      %add3A_186 = arith.constant 384 : i32
      %add3A_187 = arith.addi %add3A_186, %mul3A_185 : i32
      %add3A_188 = arith.addi %mul3A_0, %add3A_187 : i32
      %add3A_189 = vector.broadcast %add3A_188 : i32 to vector<16xi32>
      %add3A_190 = arith.addi %add3A_189, %iota3A : vector<16xi32>
      %lt3A = arith.constant 10000 : i32
      %lt3A_191 = vector.broadcast %lt3A : i32 to vector<16xi32>
      %lt3A_192 = arith.cmpi slt, %add3A_190, %lt3A_191 : vector<16xi32>
      %add3A_193 = vector.broadcast %add3A_187 : i32 to vector<16xi32>
      %add3A_194 = arith.addi %add3A_193, %iota3A : vector<16xi32>
      %lt3A_195 = arith.constant 640 : i32
      %lt3A_196 = vector.broadcast %lt3A_195 : i32 to vector<16xi32>
      %lt3A_197 = arith.cmpi slt, %add3A_194, %lt3A_196 : vector<16xi32>
      %and3A = arith.andi %lt3A_192, %lt3A_197 : vector<16xi1>
      %get3A = arith.index_cast %add3A_187 : i32 to index
      %get3A_198 = tpu.vector_load %arg5[%get3A] {strides = array<i32>} : memref<768xi32, #tpu.memory_space<vmem>>, vector<16xi32>,
      %get3A_199 = vector.shape_cast %get3A_198 : vector<16xi32> to vector<16xi32>
      %mul3A_200 = arith.constant 128 : i32
      %mul3A_201 = vector.broadcast %mul3A_200 : i32 to vector<16xi32>
      %mul3A_202 = arith.muli %get3A_199, %mul3A_201 : vector<16xi32>
      %get3A_203 = arith.index_cast %add3A_187 : i32 to index
      %get3A_204 = tpu.vector_load %arg6[%get3A_203] {strides = array<i32>} : memref<768xi32, #tpu.memory_space<vmem>>, vector<16xi32>,
      %get3A_205 = vector.shape_cast %get3A_204 : vector<16xi32> to vector<16xi32>
      %add3A_206 = arith.addi %mul3A_202, %get3A_205 : vector<16xi32>
      %add3A_207 = arith.addi %add3A_18, %add3A_187 : i32
      %add3A_208 = vector.broadcast %add3A_207 : i32 to vector<16xi32>
      %add3A_209 = arith.addi %add3A_208, %iota3A : vector<16xi32>
      %select_n3A = arith.select %and3A, %add3A_206, %add3A_209 : vector<16xi1>, vector<16xi32>
      %mul3A_210 = arith.constant 16 : i32
      %mul3A_211 = arith.muli %scan3A_183, %mul3A_210 : i32
      %swap3A = arith.constant 3 : i32
      %swap3A_212 = arith.index_cast %swap3A : i32 to index
      %swap3A_213 = arith.index_cast %mul3A_211 : i32 to index
      %swap3A_214 = tpu.vector_load %arg7[%swap3A_212, %swap3A_213] {strides = array<i32>} : memref<6x128xi32, #tpu.memory_space<vmem>>, vector<1x16xi32>,
      %swap3A_215 = vector.shape_cast %swap3A_214 : vector<1x16xi32> to vector<16xi32>
      %swap3A_216 = vector.shape_cast %select_n3A : vector<16xi32> to vector<1x16xi32>
      tpu.vector_store %arg7[%swap3A_212, %swap3A_213], %swap3A_216 {strides = array<i32>} : memref<6x128xi32, #tpu.memory_space<vmem>>, vector<1x16xi32>,
      %swap3A_217 = arith.constant 3 : i32
      %swap3A_218 = arith.index_cast %swap3A_217 : i32 to index
      %swap3A_219 = arith.index_cast %mul3A_211 : i32 to index
      %swap3A_220 = tpu.vector_load %arg8[%swap3A_218, %swap3A_219] {strides = array<i32>} : memref<6x128xf32, #tpu.memory_space<vmem>>, vector<1x16xf32>,
      %swap3A_221 = vector.shape_cast %swap3A_220 : vector<1x16xf32> to vector<16xf32>
      %swap3A_222 = vector.shape_cast %broadcast_in_dim3A_15 : vector<16xf32> to vector<1x16xf32>
      tpu.vector_store %arg8[%swap3A_218, %swap3A_219], %swap3A_222 {strides = array<i32>} : memref<6x128xf32, #tpu.memory_space<vmem>>, vector<1x16xf32>,
    }
    %scan3A_48 = arith.constant 8 : i32
    %scan3A_49 = arith.constant 0 : i32
    %scan3A_50 = arith.constant 8 : i32
    %scan3A_51 = arith.addi %scan3A_49, %scan3A_50 : i32
    %scan3A_52 = arith.constant 1 : i32
    scf.for %scan3A_183 = %scan3A_49 to %scan3A_51 step %scan3A_52  : i32 {
      %mul3A_184 = arith.constant 16 : i32
      %mul3A_185 = arith.muli %scan3A_183, %mul3A_184 : i32
      %add3A_186 = arith.constant 512 : i32
      %add3A_187 = arith.addi %add3A_186, %mul3A_185 : i32
      %add3A_188 = arith.addi %mul3A_0, %add3A_187 : i32
      %add3A_189 = vector.broadcast %add3A_188 : i32 to vector<16xi32>
      %add3A_190 = arith.addi %add3A_189, %iota3A : vector<16xi32>
      %lt3A = arith.constant 10000 : i32
      %lt3A_191 = vector.broadcast %lt3A : i32 to vector<16xi32>
      %lt3A_192 = arith.cmpi slt, %add3A_190, %lt3A_191 : vector<16xi32>
      %add3A_193 = vector.broadcast %add3A_187 : i32 to vector<16xi32>
      %add3A_194 = arith.addi %add3A_193, %iota3A : vector<16xi32>
      %lt3A_195 = arith.constant 640 : i32
      %lt3A_196 = vector.broadcast %lt3A_195 : i32 to vector<16xi32>
      %lt3A_197 = arith.cmpi slt, %add3A_194, %lt3A_196 : vector<16xi32>
      %and3A = arith.andi %lt3A_192, %lt3A_197 : vector<16xi1>
      %get3A = arith.index_cast %add3A_187 : i32 to index
      %get3A_198 = tpu.vector_load %arg5[%get3A] {strides = array<i32>} : memref<768xi32, #tpu.memory_space<vmem>>, vector<16xi32>,
      %get3A_199 = vector.shape_cast %get3A_198 : vector<16xi32> to vector<16xi32>
      %mul3A_200 = arith.constant 128 : i32
      %mul3A_201 = vector.broadcast %mul3A_200 : i32 to vector<16xi32>
      %mul3A_202 = arith.muli %get3A_199, %mul3A_201 : vector<16xi32>
      %get3A_203 = arith.index_cast %add3A_187 : i32 to index
      %get3A_204 = tpu.vector_load %arg6[%get3A_203] {strides = array<i32>} : memref<768xi32, #tpu.memory_space<vmem>>, vector<16xi32>,
      %get3A_205 = vector.shape_cast %get3A_204 : vector<16xi32> to vector<16xi32>
      %add3A_206 = arith.addi %mul3A_202, %get3A_205 : vector<16xi32>
      %add3A_207 = arith.addi %add3A_18, %add3A_187 : i32
      %add3A_208 = vector.broadcast %add3A_207 : i32 to vector<16xi32>
      %add3A_209 = arith.addi %add3A_208, %iota3A : vector<16xi32>
      %select_n3A = arith.select %and3A, %add3A_206, %add3A_209 : vector<16xi1>, vector<16xi32>
      %mul3A_210 = arith.constant 16 : i32
      %mul3A_211 = arith.muli %scan3A_183, %mul3A_210 : i32
      %swap3A = arith.constant 4 : i32
      %swap3A_212 = arith.index_cast %swap3A : i32 to index
      %swap3A_213 = arith.index_cast %mul3A_211 : i32 to index
      %swap3A_214 = tpu.vector_load %arg7[%swap3A_212, %swap3A_213] {strides = array<i32>} : memref<6x128xi32, #tpu.memory_space<vmem>>, vector<1x16xi32>,
      %swap3A_215 = vector.shape_cast %swap3A_214 : vector<1x16xi32> to vector<16xi32>
      %swap3A_216 = vector.shape_cast %select_n3A : vector<16xi32> to vector<1x16xi32>
      tpu.vector_store %arg7[%swap3A_212, %swap3A_213], %swap3A_216 {strides = array<i32>} : memref<6x128xi32, #tpu.memory_space<vmem>>, vector<1x16xi32>,
      %swap3A_217 = arith.constant 4 : i32
      %swap3A_218 = arith.index_cast %swap3A_217 : i32 to index
      %swap3A_219 = arith.index_cast %mul3A_211 : i32 to index
      %swap3A_220 = tpu.vector_load %arg8[%swap3A_218, %swap3A_219] {strides = array<i32>} : memref<6x128xf32, #tpu.memory_space<vmem>>, vector<1x16xf32>,
      %swap3A_221 = vector.shape_cast %swap3A_220 : vector<1x16xf32> to vector<16xf32>
      %swap3A_222 = vector.shape_cast %broadcast_in_dim3A_15 : vector<16xf32> to vector<1x16xf32>
      tpu.vector_store %arg8[%swap3A_218, %swap3A_219], %swap3A_222 {strides = array<i32>} : memref<6x128xf32, #tpu.memory_space<vmem>>, vector<1x16xf32>,
    }
    %scan3A_53 = arith.constant 8 : i32
    %scan3A_54 = arith.constant 0 : i32
    %scan3A_55 = arith.constant 8 : i32
    %scan3A_56 = arith.addi %scan3A_54, %scan3A_55 : i32
    %scan3A_57 = arith.constant 1 : i32
    scf.for %scan3A_183 = %scan3A_54 to %scan3A_56 step %scan3A_57  : i32 {
      %mul3A_184 = arith.constant 16 : i32
      %mul3A_185 = arith.muli %scan3A_183, %mul3A_184 : i32
      %add3A_186 = arith.constant 640 : i32
      %add3A_187 = arith.addi %add3A_186, %mul3A_185 : i32
      %add3A_188 = arith.addi %mul3A_0, %add3A_187 : i32
      %add3A_189 = vector.broadcast %add3A_188 : i32 to vector<16xi32>
      %add3A_190 = arith.addi %add3A_189, %iota3A : vector<16xi32>
      %lt3A = arith.constant 10000 : i32
      %lt3A_191 = vector.broadcast %lt3A : i32 to vector<16xi32>
      %lt3A_192 = arith.cmpi slt, %add3A_190, %lt3A_191 : vector<16xi32>
      %add3A_193 = vector.broadcast %add3A_187 : i32 to vector<16xi32>
      %add3A_194 = arith.addi %add3A_193, %iota3A : vector<16xi32>
      %lt3A_195 = arith.constant 640 : i32
      %lt3A_196 = vector.broadcast %lt3A_195 : i32 to vector<16xi32>
      %lt3A_197 = arith.cmpi slt, %add3A_194, %lt3A_196 : vector<16xi32>
      %and3A = arith.andi %lt3A_192, %lt3A_197 : vector<16xi1>
      %get3A = arith.index_cast %add3A_187 : i32 to index
      %get3A_198 = tpu.vector_load %arg5[%get3A] {strides = array<i32>} : memref<768xi32, #tpu.memory_space<vmem>>, vector<16xi32>,
      %get3A_199 = vector.shape_cast %get3A_198 : vector<16xi32> to vector<16xi32>
      %mul3A_200 = arith.constant 128 : i32
      %mul3A_201 = vector.broadcast %mul3A_200 : i32 to vector<16xi32>
      %mul3A_202 = arith.muli %get3A_199, %mul3A_201 : vector<16xi32>
      %get3A_203 = arith.index_cast %add3A_187 : i32 to index
      %get3A_204 = tpu.vector_load %arg6[%get3A_203] {strides = array<i32>} : memref<768xi32, #tpu.memory_space<vmem>>, vector<16xi32>,
      %get3A_205 = vector.shape_cast %get3A_204 : vector<16xi32> to vector<16xi32>
      %add3A_206 = arith.addi %mul3A_202, %get3A_205 : vector<16xi32>
      %add3A_207 = arith.addi %add3A_18, %add3A_187 : i32
      %add3A_208 = vector.broadcast %add3A_207 : i32 to vector<16xi32>
      %add3A_209 = arith.addi %add3A_208, %iota3A : vector<16xi32>
      %select_n3A = arith.select %and3A, %add3A_206, %add3A_209 : vector<16xi1>, vector<16xi32>
      %mul3A_210 = arith.constant 16 : i32
      %mul3A_211 = arith.muli %scan3A_183, %mul3A_210 : i32
      %swap3A = arith.constant 5 : i32
      %swap3A_212 = arith.index_cast %swap3A : i32 to index
      %swap3A_213 = arith.index_cast %mul3A_211 : i32 to index
      %swap3A_214 = tpu.vector_load %arg7[%swap3A_212, %swap3A_213] {strides = array<i32>} : memref<6x128xi32, #tpu.memory_space<vmem>>, vector<1x16xi32>,
      %swap3A_215 = vector.shape_cast %swap3A_214 : vector<1x16xi32> to vector<16xi32>
      %swap3A_216 = vector.shape_cast %select_n3A : vector<16xi32> to vector<1x16xi32>
      tpu.vector_store %arg7[%swap3A_212, %swap3A_213], %swap3A_216 {strides = array<i32>} : memref<6x128xi32, #tpu.memory_space<vmem>>, vector<1x16xi32>,
      %swap3A_217 = arith.constant 5 : i32
      %swap3A_218 = arith.index_cast %swap3A_217 : i32 to index
      %swap3A_219 = arith.index_cast %mul3A_211 : i32 to index
      %swap3A_220 = tpu.vector_load %arg8[%swap3A_218, %swap3A_219] {strides = array<i32>} : memref<6x128xf32, #tpu.memory_space<vmem>>, vector<1x16xf32>,
      %swap3A_221 = vector.shape_cast %swap3A_220 : vector<1x16xf32> to vector<16xf32>
      %swap3A_222 = vector.shape_cast %broadcast_in_dim3A_15 : vector<16xf32> to vector<1x16xf32>
      tpu.vector_store %arg8[%swap3A_218, %swap3A_219], %swap3A_222 {strides = array<i32>} : memref<6x128xf32, #tpu.memory_space<vmem>>, vector<1x16xf32>,
    }
    %scan3A_58 = arith.constant 8 : i32
    %barrier3A = arith.constant 0 : index
    tpu.barrier barrier_id(%barrier3A)
    %dma_start3A = arith.constant 0 : i32
    %dma_start3A_59 = arith.constant 0 : i32
    %dma_start3A_60 = arith.constant 0 : i32
    %dma_start3A_61 = tpu.memref_slice %arg8[%dma_start3A, %dma_start3A_60] : memref<6x128xf32, #tpu.memory_space<vmem>> -> memref<1x128xf32, #tpu.memory_space<vmem>>
    %dma_start3A_62 = tpu.memref_squeeze %dma_start3A_61 : memref<1x128xf32, #tpu.memory_space<vmem>> -> memref<128xf32, #tpu.memory_space<vmem>>
    %dma_start3A_63 = arith.constant 0 : i32
    %dma_start3A_64 = tpu.memref_slice %arg7[%dma_start3A_59, %dma_start3A_63] : memref<6x128xi32, #tpu.memory_space<vmem>> -> memref<1x128xi32, #tpu.memory_space<vmem>>
    %dma_start3A_65 = tpu.memref_squeeze %dma_start3A_64 : memref<1x128xi32, #tpu.memory_space<vmem>> -> memref<128xi32, #tpu.memory_space<vmem>>
    %dma_start3A_66 = arith.constant 0 : i32
    %dma_start3A_67 = tpu.memref_slice %arg10[%dma_start3A_66] : memref<37888xf32, #tpu.memory_space<vmem_shared>> -> memref<37888xf32, #tpu.memory_space<vmem_shared>>
    tpu.enqueue_indirect_dma source(%dma_start3A_62 : memref<128xf32, #tpu.memory_space<vmem>>) target(%dma_start3A_67 : memref<37888xf32, #tpu.memory_space<vmem_shared>>) offsets(%dma_start3A_65 : memref<128xi32, #tpu.memory_space<vmem>>) semaphore(%arg12 : memref<!tpu.dma_semaphore, #tpu.memory_space<semaphore_mem>>) {add = true}
    %dma_start3A_68 = arith.constant 1 : i32
    %dma_start3A_69 = arith.constant 1 : i32
    %dma_start3A_70 = arith.constant 0 : i32
    %dma_start3A_71 = tpu.memref_slice %arg8[%dma_start3A_68, %dma_start3A_70] : memref<6x128xf32, #tpu.memory_space<vmem>> -> memref<1x128xf32, #tpu.memory_space<vmem>>
    %dma_start3A_72 = tpu.memref_squeeze %dma_start3A_71 : memref<1x128xf32, #tpu.memory_space<vmem>> -> memref<128xf32, #tpu.memory_space<vmem>>
    %dma_start3A_73 = arith.constant 0 : i32
    %dma_start3A_74 = tpu.memref_slice %arg7[%dma_start3A_69, %dma_start3A_73] : memref<6x128xi32, #tpu.memory_space<vmem>> -> memref<1x128xi32, #tpu.memory_space<vmem>>
    %dma_start3A_75 = tpu.memref_squeeze %dma_start3A_74 : memref<1x128xi32, #tpu.memory_space<vmem>> -> memref<128xi32, #tpu.memory_space<vmem>>
    %dma_start3A_76 = arith.constant 0 : i32
    %dma_start3A_77 = tpu.memref_slice %arg10[%dma_start3A_76] : memref<37888xf32, #tpu.memory_space<vmem_shared>> -> memref<37888xf32, #tpu.memory_space<vmem_shared>>
    tpu.enqueue_indirect_dma source(%dma_start3A_72 : memref<128xf32, #tpu.memory_space<vmem>>) target(%dma_start3A_77 : memref<37888xf32, #tpu.memory_space<vmem_shared>>) offsets(%dma_start3A_75 : memref<128xi32, #tpu.memory_space<vmem>>) semaphore(%arg12 : memref<!tpu.dma_semaphore, #tpu.memory_space<semaphore_mem>>) {add = true}
    %dma_start3A_78 = arith.constant 2 : i32
    %dma_start3A_79 = arith.constant 2 : i32
    %dma_start3A_80 = arith.constant 0 : i32
    %dma_start3A_81 = tpu.memref_slice %arg8[%dma_start3A_78, %dma_start3A_80] : memref<6x128xf32, #tpu.memory_space<vmem>> -> memref<1x128xf32, #tpu.memory_space<vmem>>
    %dma_start3A_82 = tpu.memref_squeeze %dma_start3A_81 : memref<1x128xf32, #tpu.memory_space<vmem>> -> memref<128xf32, #tpu.memory_space<vmem>>
    %dma_start3A_83 = arith.constant 0 : i32
    %dma_start3A_84 = tpu.memref_slice %arg7[%dma_start3A_79, %dma_start3A_83] : memref<6x128xi32, #tpu.memory_space<vmem>> -> memref<1x128xi32, #tpu.memory_space<vmem>>
    %dma_start3A_85 = tpu.memref_squeeze %dma_start3A_84 : memref<1x128xi32, #tpu.memory_space<vmem>> -> memref<128xi32, #tpu.memory_space<vmem>>
    %dma_start3A_86 = arith.constant 0 : i32
    %dma_start3A_87 = tpu.memref_slice %arg10[%dma_start3A_86] : memref<37888xf32, #tpu.memory_space<vmem_shared>> -> memref<37888xf32, #tpu.memory_space<vmem_shared>>
    tpu.enqueue_indirect_dma source(%dma_start3A_82 : memref<128xf32, #tpu.memory_space<vmem>>) target(%dma_start3A_87 : memref<37888xf32, #tpu.memory_space<vmem_shared>>) offsets(%dma_start3A_85 : memref<128xi32, #tpu.memory_space<vmem>>) semaphore(%arg12 : memref<!tpu.dma_semaphore, #tpu.memory_space<semaphore_mem>>) {add = true}
    %dma_start3A_88 = arith.constant 3 : i32
    %dma_start3A_89 = arith.constant 3 : i32
    %dma_start3A_90 = arith.constant 0 : i32
    %dma_start3A_91 = tpu.memref_slice %arg8[%dma_start3A_88, %dma_start3A_90] : memref<6x128xf32, #tpu.memory_space<vmem>> -> memref<1x128xf32, #tpu.memory_space<vmem>>
    %dma_start3A_92 = tpu.memref_squeeze %dma_start3A_91 : memref<1x128xf32, #tpu.memory_space<vmem>> -> memref<128xf32, #tpu.memory_space<vmem>>
    %dma_start3A_93 = arith.constant 0 : i32
    %dma_start3A_94 = tpu.memref_slice %arg7[%dma_start3A_89, %dma_start3A_93] : memref<6x128xi32, #tpu.memory_space<vmem>> -> memref<1x128xi32, #tpu.memory_space<vmem>>
    %dma_start3A_95 = tpu.memref_squeeze %dma_start3A_94 : memref<1x128xi32, #tpu.memory_space<vmem>> -> memref<128xi32, #tpu.memory_space<vmem>>
    %dma_start3A_96 = arith.constant 0 : i32
    %dma_start3A_97 = tpu.memref_slice %arg10[%dma_start3A_96] : memref<37888xf32, #tpu.memory_space<vmem_shared>> -> memref<37888xf32, #tpu.memory_space<vmem_shared>>
    tpu.enqueue_indirect_dma source(%dma_start3A_92 : memref<128xf32, #tpu.memory_space<vmem>>) target(%dma_start3A_97 : memref<37888xf32, #tpu.memory_space<vmem_shared>>) offsets(%dma_start3A_95 : memref<128xi32, #tpu.memory_space<vmem>>) semaphore(%arg12 : memref<!tpu.dma_semaphore, #tpu.memory_space<semaphore_mem>>) {add = true}
    %dma_start3A_98 = arith.constant 4 : i32
    %dma_start3A_99 = arith.constant 4 : i32
    %dma_start3A_100 = arith.constant 0 : i32
    %dma_start3A_101 = tpu.memref_slice %arg8[%dma_start3A_98, %dma_start3A_100] : memref<6x128xf32, #tpu.memory_space<vmem>> -> memref<1x128xf32, #tpu.memory_space<vmem>>
    %dma_start3A_102 = tpu.memref_squeeze %dma_start3A_101 : memref<1x128xf32, #tpu.memory_space<vmem>> -> memref<128xf32, #tpu.memory_space<vmem>>
    %dma_start3A_103 = arith.constant 0 : i32
    %dma_start3A_104 = tpu.memref_slice %arg7[%dma_start3A_99, %dma_start3A_103] : memref<6x128xi32, #tpu.memory_space<vmem>> -> memref<1x128xi32, #tpu.memory_space<vmem>>
    %dma_start3A_105 = tpu.memref_squeeze %dma_start3A_104 : memref<1x128xi32, #tpu.memory_space<vmem>> -> memref<128xi32, #tpu.memory_space<vmem>>
    %dma_start3A_106 = arith.constant 0 : i32
    %dma_start3A_107 = tpu.memref_slice %arg10[%dma_start3A_106] : memref<37888xf32, #tpu.memory_space<vmem_shared>> -> memref<37888xf32, #tpu.memory_space<vmem_shared>>
    tpu.enqueue_indirect_dma source(%dma_start3A_102 : memref<128xf32, #tpu.memory_space<vmem>>) target(%dma_start3A_107 : memref<37888xf32, #tpu.memory_space<vmem_shared>>) offsets(%dma_start3A_105 : memref<128xi32, #tpu.memory_space<vmem>>) semaphore(%arg12 : memref<!tpu.dma_semaphore, #tpu.memory_space<semaphore_mem>>) {add = true}
    %dma_start3A_108 = arith.constant 5 : i32
    %dma_start3A_109 = arith.constant 5 : i32
    %dma_start3A_110 = arith.constant 0 : i32
    %dma_start3A_111 = tpu.memref_slice %arg8[%dma_start3A_108, %dma_start3A_110] : memref<6x128xf32, #tpu.memory_space<vmem>> -> memref<1x128xf32, #tpu.memory_space<vmem>>
    %dma_start3A_112 = tpu.memref_squeeze %dma_start3A_111 : memref<1x128xf32, #tpu.memory_space<vmem>> -> memref<128xf32, #tpu.memory_space<vmem>>
    %dma_start3A_113 = arith.constant 0 : i32
    %dma_start3A_114 = tpu.memref_slice %arg7[%dma_start3A_109, %dma_start3A_113] : memref<6x128xi32, #tpu.memory_space<vmem>> -> memref<1x128xi32, #tpu.memory_space<vmem>>
    %dma_start3A_115 = tpu.memref_squeeze %dma_start3A_114 : memref<1x128xi32, #tpu.memory_space<vmem>> -> memref<128xi32, #tpu.memory_space<vmem>>
    %dma_start3A_116 = arith.constant 0 : i32
    %dma_start3A_117 = tpu.memref_slice %arg10[%dma_start3A_116] : memref<37888xf32, #tpu.memory_space<vmem_shared>> -> memref<37888xf32, #tpu.memory_space<vmem_shared>>
    tpu.enqueue_indirect_dma source(%dma_start3A_112 : memref<128xf32, #tpu.memory_space<vmem>>) target(%dma_start3A_117 : memref<37888xf32, #tpu.memory_space<vmem_shared>>) offsets(%dma_start3A_115 : memref<128xi32, #tpu.memory_space<vmem>>) semaphore(%arg12 : memref<!tpu.dma_semaphore, #tpu.memory_space<semaphore_mem>>) {add = true}
    %dma_wait3A = arith.constant 0 : i32
    %dma_wait3A_118 = arith.constant 0 : i32
    %dma_wait3A_119 = arith.constant 0 : i32
    %dma_wait3A_120 = tpu.memref_slice %arg8[%dma_wait3A, %dma_wait3A_119] : memref<6x128xf32, #tpu.memory_space<vmem>> -> memref<1x128xf32, #tpu.memory_space<vmem>>
    %dma_wait3A_121 = tpu.memref_squeeze %dma_wait3A_120 : memref<1x128xf32, #tpu.memory_space<vmem>> -> memref<128xf32, #tpu.memory_space<vmem>>
    %dma_wait3A_122 = arith.constant 0 : i32
    %dma_wait3A_123 = tpu.memref_slice %arg7[%dma_wait3A_118, %dma_wait3A_122] : memref<6x128xi32, #tpu.memory_space<vmem>> -> memref<1x128xi32, #tpu.memory_space<vmem>>
    %dma_wait3A_124 = tpu.memref_squeeze %dma_wait3A_123 : memref<1x128xi32, #tpu.memory_space<vmem>> -> memref<128xi32, #tpu.memory_space<vmem>>
    %dma_wait3A_125 = arith.constant 0 : i32
    %dma_wait3A_126 = tpu.memref_slice %arg10[%dma_wait3A_125] : memref<37888xf32, #tpu.memory_space<vmem_shared>> -> memref<37888xf32, #tpu.memory_space<vmem_shared>>
    tpu.wait_indirect_dma semaphore(%arg12 : memref<!tpu.dma_semaphore, #tpu.memory_space<semaphore_mem>>) src(%dma_wait3A_121 : memref<128xf32, #tpu.memory_space<vmem>>) dst(%dma_wait3A_126 : memref<37888xf32, #tpu.memory_space<vmem_shared>>)
    %dma_wait3A_127 = arith.constant 1 : i32
    %dma_wait3A_128 = arith.constant 1 : i32
    %dma_wait3A_129 = arith.constant 0 : i32
    %dma_wait3A_130 = tpu.memref_slice %arg8[%dma_wait3A_127, %dma_wait3A_129] : memref<6x128xf32, #tpu.memory_space<vmem>> -> memref<1x128xf32, #tpu.memory_space<vmem>>
    %dma_wait3A_131 = tpu.memref_squeeze %dma_wait3A_130 : memref<1x128xf32, #tpu.memory_space<vmem>> -> memref<128xf32, #tpu.memory_space<vmem>>
    %dma_wait3A_132 = arith.constant 0 : i32
    %dma_wait3A_133 = tpu.memref_slice %arg7[%dma_wait3A_128, %dma_wait3A_132] : memref<6x128xi32, #tpu.memory_space<vmem>> -> memref<1x128xi32, #tpu.memory_space<vmem>>
    %dma_wait3A_134 = tpu.memref_squeeze %dma_wait3A_133 : memref<1x128xi32, #tpu.memory_space<vmem>> -> memref<128xi32, #tpu.memory_space<vmem>>
    %dma_wait3A_135 = arith.constant 0 : i32
    %dma_wait3A_136 = tpu.memref_slice %arg10[%dma_wait3A_135] : memref<37888xf32, #tpu.memory_space<vmem_shared>> -> memref<37888xf32, #tpu.memory_space<vmem_shared>>
    tpu.wait_indirect_dma semaphore(%arg12 : memref<!tpu.dma_semaphore, #tpu.memory_space<semaphore_mem>>) src(%dma_wait3A_131 : memref<128xf32, #tpu.memory_space<vmem>>) dst(%dma_wait3A_136 : memref<37888xf32, #tpu.memory_space<vmem_shared>>)
    %dma_wait3A_137 = arith.constant 2 : i32
    %dma_wait3A_138 = arith.constant 2 : i32
    %dma_wait3A_139 = arith.constant 0 : i32
    %dma_wait3A_140 = tpu.memref_slice %arg8[%dma_wait3A_137, %dma_wait3A_139] : memref<6x128xf32, #tpu.memory_space<vmem>> -> memref<1x128xf32, #tpu.memory_space<vmem>>
    %dma_wait3A_141 = tpu.memref_squeeze %dma_wait3A_140 : memref<1x128xf32, #tpu.memory_space<vmem>> -> memref<128xf32, #tpu.memory_space<vmem>>
    %dma_wait3A_142 = arith.constant 0 : i32
    %dma_wait3A_143 = tpu.memref_slice %arg7[%dma_wait3A_138, %dma_wait3A_142] : memref<6x128xi32, #tpu.memory_space<vmem>> -> memref<1x128xi32, #tpu.memory_space<vmem>>
    %dma_wait3A_144 = tpu.memref_squeeze %dma_wait3A_143 : memref<1x128xi32, #tpu.memory_space<vmem>> -> memref<128xi32, #tpu.memory_space<vmem>>
    %dma_wait3A_145 = arith.constant 0 : i32
    %dma_wait3A_146 = tpu.memref_slice %arg10[%dma_wait3A_145] : memref<37888xf32, #tpu.memory_space<vmem_shared>> -> memref<37888xf32, #tpu.memory_space<vmem_shared>>
    tpu.wait_indirect_dma semaphore(%arg12 : memref<!tpu.dma_semaphore, #tpu.memory_space<semaphore_mem>>) src(%dma_wait3A_141 : memref<128xf32, #tpu.memory_space<vmem>>) dst(%dma_wait3A_146 : memref<37888xf32, #tpu.memory_space<vmem_shared>>)
    %dma_wait3A_147 = arith.constant 3 : i32
    %dma_wait3A_148 = arith.constant 3 : i32
    %dma_wait3A_149 = arith.constant 0 : i32
    %dma_wait3A_150 = tpu.memref_slice %arg8[%dma_wait3A_147, %dma_wait3A_149] : memref<6x128xf32, #tpu.memory_space<vmem>> -> memref<1x128xf32, #tpu.memory_space<vmem>>
    %dma_wait3A_151 = tpu.memref_squeeze %dma_wait3A_150 : memref<1x128xf32, #tpu.memory_space<vmem>> -> memref<128xf32, #tpu.memory_space<vmem>>
    %dma_wait3A_152 = arith.constant 0 : i32
    %dma_wait3A_153 = tpu.memref_slice %arg7[%dma_wait3A_148, %dma_wait3A_152] : memref<6x128xi32, #tpu.memory_space<vmem>> -> memref<1x128xi32, #tpu.memory_space<vmem>>
    %dma_wait3A_154 = tpu.memref_squeeze %dma_wait3A_153 : memref<1x128xi32, #tpu.memory_space<vmem>> -> memref<128xi32, #tpu.memory_space<vmem>>
    %dma_wait3A_155 = arith.constant 0 : i32
    %dma_wait3A_156 = tpu.memref_slice %arg10[%dma_wait3A_155] : memref<37888xf32, #tpu.memory_space<vmem_shared>> -> memref<37888xf32, #tpu.memory_space<vmem_shared>>
    tpu.wait_indirect_dma semaphore(%arg12 : memref<!tpu.dma_semaphore, #tpu.memory_space<semaphore_mem>>) src(%dma_wait3A_151 : memref<128xf32, #tpu.memory_space<vmem>>) dst(%dma_wait3A_156 : memref<37888xf32, #tpu.memory_space<vmem_shared>>)
    %dma_wait3A_157 = arith.constant 4 : i32
    %dma_wait3A_158 = arith.constant 4 : i32
    %dma_wait3A_159 = arith.constant 0 : i32
    %dma_wait3A_160 = tpu.memref_slice %arg8[%dma_wait3A_157, %dma_wait3A_159] : memref<6x128xf32, #tpu.memory_space<vmem>> -> memref<1x128xf32, #tpu.memory_space<vmem>>
    %dma_wait3A_161 = tpu.memref_squeeze %dma_wait3A_160 : memref<1x128xf32, #tpu.memory_space<vmem>> -> memref<128xf32, #tpu.memory_space<vmem>>
    %dma_wait3A_162 = arith.constant 0 : i32
    %dma_wait3A_163 = tpu.memref_slice %arg7[%dma_wait3A_158, %dma_wait3A_162] : memref<6x128xi32, #tpu.memory_space<vmem>> -> memref<1x128xi32, #tpu.memory_space<vmem>>
    %dma_wait3A_164 = tpu.memref_squeeze %dma_wait3A_163 : memref<1x128xi32, #tpu.memory_space<vmem>> -> memref<128xi32, #tpu.memory_space<vmem>>
    %dma_wait3A_165 = arith.constant 0 : i32
    %dma_wait3A_166 = tpu.memref_slice %arg10[%dma_wait3A_165] : memref<37888xf32, #tpu.memory_space<vmem_shared>> -> memref<37888xf32, #tpu.memory_space<vmem_shared>>
    tpu.wait_indirect_dma semaphore(%arg12 : memref<!tpu.dma_semaphore, #tpu.memory_space<semaphore_mem>>) src(%dma_wait3A_161 : memref<128xf32, #tpu.memory_space<vmem>>) dst(%dma_wait3A_166 : memref<37888xf32, #tpu.memory_space<vmem_shared>>)
    %dma_wait3A_167 = arith.constant 5 : i32
    %dma_wait3A_168 = arith.constant 5 : i32
    %dma_wait3A_169 = arith.constant 0 : i32
    %dma_wait3A_170 = tpu.memref_slice %arg8[%dma_wait3A_167, %dma_wait3A_169] : memref<6x128xf32, #tpu.memory_space<vmem>> -> memref<1x128xf32, #tpu.memory_space<vmem>>
    %dma_wait3A_171 = tpu.memref_squeeze %dma_wait3A_170 : memref<1x128xf32, #tpu.memory_space<vmem>> -> memref<128xf32, #tpu.memory_space<vmem>>
    %dma_wait3A_172 = arith.constant 0 : i32
    %dma_wait3A_173 = tpu.memref_slice %arg7[%dma_wait3A_168, %dma_wait3A_172] : memref<6x128xi32, #tpu.memory_space<vmem>> -> memref<1x128xi32, #tpu.memory_space<vmem>>
    %dma_wait3A_174 = tpu.memref_squeeze %dma_wait3A_173 : memref<1x128xi32, #tpu.memory_space<vmem>> -> memref<128xi32, #tpu.memory_space<vmem>>
    %dma_wait3A_175 = arith.constant 0 : i32
    %dma_wait3A_176 = tpu.memref_slice %arg10[%dma_wait3A_175] : memref<37888xf32, #tpu.memory_space<vmem_shared>> -> memref<37888xf32, #tpu.memory_space<vmem_shared>>
    tpu.wait_indirect_dma semaphore(%arg12 : memref<!tpu.dma_semaphore, #tpu.memory_space<semaphore_mem>>) src(%dma_wait3A_171 : memref<128xf32, #tpu.memory_space<vmem>>) dst(%dma_wait3A_176 : memref<37888xf32, #tpu.memory_space<vmem_shared>>)
    %barrier3A_177 = arith.constant 0 : index
    tpu.barrier barrier_id(%barrier3A_177)
    %eq3A_178 = arith.constant 0 : i32
    %eq3A_179 = arith.cmpi eq, %arg1, %eq3A_178 : i32
    %convert_element_type3A_180 = arith.extui %eq3A_179 : i1 to i32
    %cond3A_181 = arith.constant 0 : i32
    %cond3A_182 = arith.cmpi ne, %convert_element_type3A_180, %cond3A_181 : i32
    scf.if %cond3A_182 {
      "tpu.region"() ({
        %run_scoped3A = tpu.sem_alloc : memref<!tpu.dma_semaphore, #tpu.memory_space<semaphore_mem>>
        tpu.enqueue_dma source(%arg10 : memref<37888xf32, #tpu.memory_space<vmem_shared>>) target(%arg4 : memref<37888xf32, #tpu.memory_space<hbm>>) target_semaphore(%run_scoped3A : memref<!tpu.dma_semaphore, #tpu.memory_space<semaphore_mem>>)
        tpu.wait_dma2 semaphore(%run_scoped3A : memref<!tpu.dma_semaphore, #tpu.memory_space<semaphore_mem>>) src(%arg10 : memref<37888xf32, #tpu.memory_space<vmem_shared>>) dst(%arg4 : memref<37888xf32, #tpu.memory_space<hbm>>)
        tpu.yield
      }) : () -> ()
    } else {
    }
    return
  }
}

module attributes {stable_mosaic.version = 14 : i64} {
  func.func @_chain_body(%arg0: memref<296x128xf32, #tpu.memory_space<vmem>>, %arg1: memref<8x200xf32, #tpu.memory_space<vmem>>, %arg2: memref<10000xi32, #tpu.memory_space<vmem>>, %arg3: memref<128x128xf32, #tpu.memory_space<vmem>>, %arg4: memref<131x128xf32, #tpu.memory_space<vmem>>, %arg5: memref<128xf32, #tpu.memory_space<vmem>>, %arg6: memref<128x128xf32, #tpu.memory_space<vmem>>, %arg7: memref<128xf32, #tpu.memory_space<vmem>>, %arg8: memref<128x128xf32, #tpu.memory_space<vmem>>, %arg9: memref<128xf32, #tpu.memory_space<vmem>>, %arg10: memref<128x128xf32, #tpu.memory_space<vmem>>, %arg11: memref<128xf32, #tpu.memory_space<vmem>>, %arg12: memref<128x128xf32, #tpu.memory_space<vmem>>, %arg13: memref<128xf32, #tpu.memory_space<vmem>>, %arg14: memref<128x3xf32, #tpu.memory_space<vmem>>, %arg15: memref<3xf32, #tpu.memory_space<vmem>>, %arg16: memref<3x10000xf32, #tpu.memory_space<vmem>>) attributes {dimension_semantics = [], scalar_prefetch = 0 : i64, scratch_operands = 0 : i64, tpu.core_type = #tpu.core_type<tc>} {
    %get3A = arith.constant 0 : index
    %get3A_0 = arith.constant 0 : index
    %get3A_1 = vector.load %arg0[%get3A, %get3A_0] : memref<296x128xf32, #tpu.memory_space<vmem>>, vector<296x128xf32>
    %slice3A = vector.extract_strided_slice %get3A_1 {offsets = [0, 0], sizes = [200, 128], strides = [1, 1]} : vector<296x128xf32> to vector<200x128xf32>
    %reduce_sum3A = arith.constant dense<0.000000e+00> : vector<200xf32>
    %reduce_sum3A_2 = vector.multi_reduction <add>, %slice3A, %reduce_sum3A [1] : vector<200x128xf32> to vector<200xf32>
    %broadcast_in_dim3A = vector.shape_cast %reduce_sum3A_2 : vector<200xf32> to vector<200x1xf32>
    %gt3A = arith.constant 0.000000e+00 : f32
    %gt3A_3 = vector.broadcast %gt3A : f32 to vector<200x1xf32>
    %gt3A_4 = arith.cmpf ogt, %broadcast_in_dim3A, %gt3A_3 : vector<200x1xf32>
    %div3A = arith.constant 1.000000e+00 : f32
    %div3A_5 = vector.broadcast %div3A : f32 to vector<200x1xf32>
    %div3A_6 = arith.divf %div3A_5, %broadcast_in_dim3A : vector<200x1xf32>
    %jit3A = arith.constant 0.000000e+00 : f32
    %broadcast_in_dim3A_7 = vector.broadcast %jit3A : f32 to vector<200x1xf32>
    %select_n3A = arith.select %gt3A_4, %div3A_6, %broadcast_in_dim3A_7 : vector<200x1xi1>, vector<200x1xf32>
    %get3A_8 = arith.constant 0 : index
    %get3A_9 = vector.load %arg2[%get3A_8] : memref<10000xi32, #tpu.memory_space<vmem>>, vector<10000xi32>
    %convert_element_type3A = arith.sitofp %get3A_9 : vector<10000xi32> to vector<10000xbf16>
    %iota3A = tpu.iota {dimensions = array<i32: 0>} : vector<200x1xi32>
    %convert_element_type3A_10 = arith.sitofp %iota3A : vector<200x1xi32> to vector<200x1xbf16>
    %broadcast_in_dim3A_11 = vector.shape_cast %convert_element_type3A : vector<10000xbf16> to vector<1x10000xbf16>
    %eq3A = vector.broadcast %broadcast_in_dim3A_11 : vector<1x10000xbf16> to vector<200x10000xbf16>
    %eq3A_12 = vector.broadcast %convert_element_type3A_10 : vector<200x1xbf16> to vector<200x10000xbf16>
    %eq3A_13 = arith.cmpf oeq, %eq3A, %eq3A_12 : vector<200x10000xbf16>
    %jit3A_14 = arith.constant 1.000000e+00 : bf16
    %jit3A_15 = arith.constant 0.000000e+00 : bf16
    %broadcast_in_dim3A_16 = vector.broadcast %jit3A_14 : bf16 to vector<200x10000xbf16>
    %broadcast_in_dim3A_17 = vector.broadcast %jit3A_15 : bf16 to vector<200x10000xbf16>
    %select_n3A_18 = arith.select %eq3A_13, %broadcast_in_dim3A_16, %broadcast_in_dim3A_17 : vector<200x10000xi1>, vector<200x10000xbf16>
    %get3A_19 = arith.constant 0 : index
    %get3A_20 = arith.constant 0 : index
    %get3A_21 = vector.load %arg1[%get3A_19, %get3A_20] : memref<8x200xf32, #tpu.memory_space<vmem>>, vector<8x200xf32>
    %slice3A_22 = vector.extract_strided_slice %get3A_21 {offsets = [0, 0], sizes = [3, 200], strides = [1, 1]} : vector<8x200xf32> to vector<3x200xf32>
    %slice3A_23 = vector.extract_strided_slice %get3A_21 {offsets = [3, 0], sizes = [3, 200], strides = [1, 1]} : vector<8x200xf32> to vector<3x200xf32>
    %add3A = arith.addf %slice3A_22, %slice3A_23 : vector<3x200xf32>
    %get3A_24 = arith.constant 0 : index
    %get3A_25 = arith.constant 0 : index
    %get3A_26 = vector.load %arg3[%get3A_24, %get3A_25] : memref<128x128xf32, #tpu.memory_space<vmem>>, vector<128x128xf32>
    %get3A_27 = arith.constant 3 : index
    %get3A_28 = arith.constant 0 : index
    %get3A_29 = vector.load %arg4[%get3A_27, %get3A_28] : memref<131x128xf32, #tpu.memory_space<vmem>>, vector<128x128xf32>
    %dot_general3A = arith.constant dense<0.000000e+00> : vector<128x128xf32>
    %dot_general3A_30 = tpu.matmul %get3A_26, %get3A_29, %dot_general3A {dimension_numbers = #tpu.dot_dimension_numbers<[1], [0], [0], [1], [0, 0, 1, 1], [], []>, transpose_lhs_hint = false} : vector<128x128xf32>, vector<128x128xf32>, vector<128x128xf32> -> vector<128x128xf32>
    %dot_general3A_31 = arith.constant dense<0.000000e+00> : vector<200x128xf32>
    %dot_general3A_32 = tpu.matmul %slice3A, %dot_general3A_30, %dot_general3A_31 {dimension_numbers = #tpu.dot_dimension_numbers<[1], [0], [0], [1], [0, 0, 1, 1], [], []>, transpose_lhs_hint = false} : vector<200x128xf32>, vector<128x128xf32>, vector<200x128xf32> -> vector<200x128xf32>
    %get3A_33 = arith.constant 0 : index
    %get3A_34 = arith.constant 0 : index
    %get3A_35 = vector.load %arg4[%get3A_33, %get3A_34] : memref<131x128xf32, #tpu.memory_space<vmem>>, vector<3x128xf32>
    %dot_general3A_36 = arith.constant dense<0.000000e+00> : vector<200x128xf32>
    %dot_general3A_37 = tpu.matmul %add3A, %get3A_35, %dot_general3A_36 {dimension_numbers = #tpu.dot_dimension_numbers<[0], [0], [1], [1], [0, 1, 1, 1], [], []>, transpose_lhs_hint = false} : vector<3x200xf32>, vector<3x128xf32>, vector<200x128xf32> -> vector<200x128xf32>
    %add3A_38 = arith.addf %dot_general3A_32, %dot_general3A_37 : vector<200x128xf32>
    %mul3A = vector.broadcast %select_n3A : vector<200x1xf32> to vector<200x128xf32>
    %mul3A_39 = arith.mulf %add3A_38, %mul3A : vector<200x128xf32>
    %get3A_40 = arith.constant 0 : index
    %get3A_41 = vector.load %arg5[%get3A_40] : memref<128xf32, #tpu.memory_space<vmem>>, vector<128xf32>
    %broadcast_in_dim3A_42 = vector.shape_cast %get3A_41 : vector<128xf32> to vector<1x128xf32>
    %add3A_43 = vector.broadcast %broadcast_in_dim3A_42 : vector<1x128xf32> to vector<200x128xf32>
    %add3A_44 = arith.addf %mul3A_39, %add3A_43 : vector<200x128xf32>
    %get3A_45 = arith.constant 0 : index
    %get3A_46 = arith.constant 0 : index
    %get3A_47 = vector.load %arg6[%get3A_45, %get3A_46] : memref<128x128xf32, #tpu.memory_space<vmem>>, vector<128x128xf32>
    %dot_general3A_48 = arith.constant dense<0.000000e+00> : vector<200x128xf32>
    %dot_general3A_49 = tpu.matmul %add3A_44, %get3A_47, %dot_general3A_48 {dimension_numbers = #tpu.dot_dimension_numbers<[1], [0], [0], [1], [0, 0, 1, 1], [], []>, transpose_lhs_hint = false} : vector<200x128xf32>, vector<128x128xf32>, vector<200x128xf32> -> vector<200x128xf32>
    %get3A_50 = arith.constant 0 : index
    %get3A_51 = vector.load %arg7[%get3A_50] : memref<128xf32, #tpu.memory_space<vmem>>, vector<128xf32>
    %broadcast_in_dim3A_52 = vector.shape_cast %get3A_51 : vector<128xf32> to vector<1x128xf32>
    %add3A_53 = vector.broadcast %broadcast_in_dim3A_52 : vector<1x128xf32> to vector<200x128xf32>
    %add3A_54 = arith.addf %dot_general3A_49, %add3A_53 : vector<200x128xf32>
    %logistic3A = arith.negf %add3A_54 : vector<200x128xf32>
    %logistic3A_55 = math.exp %logistic3A : vector<200x128xf32>
    %logistic3A_56 = arith.constant 1.000000e+00 : f32
    %logistic3A_57 = vector.broadcast %logistic3A_56 : f32 to vector<200x128xf32>
    %logistic3A_58 = arith.addf %logistic3A_57, %logistic3A_55 : vector<200x128xf32>
    %logistic3A_59 = arith.divf %logistic3A_57, %logistic3A_58 : vector<200x128xf32>
    %mul3A_60 = arith.mulf %add3A_54, %logistic3A_59 : vector<200x128xf32>
    %get3A_61 = arith.constant 0 : index
    %get3A_62 = arith.constant 0 : index
    %get3A_63 = vector.load %arg8[%get3A_61, %get3A_62] : memref<128x128xf32, #tpu.memory_space<vmem>>, vector<128x128xf32>
    %dot_general3A_64 = arith.constant dense<0.000000e+00> : vector<200x128xf32>
    %dot_general3A_65 = tpu.matmul %mul3A_60, %get3A_63, %dot_general3A_64 {dimension_numbers = #tpu.dot_dimension_numbers<[1], [0], [0], [1], [0, 0, 1, 1], [], []>, transpose_lhs_hint = false} : vector<200x128xf32>, vector<128x128xf32>, vector<200x128xf32> -> vector<200x128xf32>
    %get3A_66 = arith.constant 0 : index
    %get3A_67 = vector.load %arg9[%get3A_66] : memref<128xf32, #tpu.memory_space<vmem>>, vector<128xf32>
    %broadcast_in_dim3A_68 = vector.shape_cast %get3A_67 : vector<128xf32> to vector<1x128xf32>
    %add3A_69 = vector.broadcast %broadcast_in_dim3A_68 : vector<1x128xf32> to vector<200x128xf32>
    %add3A_70 = arith.addf %dot_general3A_65, %add3A_69 : vector<200x128xf32>
    %logistic3A_71 = arith.negf %add3A_70 : vector<200x128xf32>
    %logistic3A_72 = math.exp %logistic3A_71 : vector<200x128xf32>
    %logistic3A_73 = arith.constant 1.000000e+00 : f32
    %logistic3A_74 = vector.broadcast %logistic3A_73 : f32 to vector<200x128xf32>
    %logistic3A_75 = arith.addf %logistic3A_74, %logistic3A_72 : vector<200x128xf32>
    %logistic3A_76 = arith.divf %logistic3A_74, %logistic3A_75 : vector<200x128xf32>
    %mul3A_77 = arith.mulf %add3A_70, %logistic3A_76 : vector<200x128xf32>
    %get3A_78 = arith.constant 0 : index
    %get3A_79 = arith.constant 0 : index
    %get3A_80 = vector.load %arg10[%get3A_78, %get3A_79] : memref<128x128xf32, #tpu.memory_space<vmem>>, vector<128x128xf32>
    %dot_general3A_81 = arith.constant dense<0.000000e+00> : vector<200x128xf32>
    %dot_general3A_82 = tpu.matmul %mul3A_77, %get3A_80, %dot_general3A_81 {dimension_numbers = #tpu.dot_dimension_numbers<[1], [0], [0], [1], [0, 0, 1, 1], [], []>, transpose_lhs_hint = false} : vector<200x128xf32>, vector<128x128xf32>, vector<200x128xf32> -> vector<200x128xf32>
    %get3A_83 = arith.constant 0 : index
    %get3A_84 = vector.load %arg11[%get3A_83] : memref<128xf32, #tpu.memory_space<vmem>>, vector<128xf32>
    %broadcast_in_dim3A_85 = vector.shape_cast %get3A_84 : vector<128xf32> to vector<1x128xf32>
    %add3A_86 = vector.broadcast %broadcast_in_dim3A_85 : vector<1x128xf32> to vector<200x128xf32>
    %add3A_87 = arith.addf %dot_general3A_82, %add3A_86 : vector<200x128xf32>
    %logistic3A_88 = arith.negf %add3A_87 : vector<200x128xf32>
    %logistic3A_89 = math.exp %logistic3A_88 : vector<200x128xf32>
    %logistic3A_90 = arith.constant 1.000000e+00 : f32
    %logistic3A_91 = vector.broadcast %logistic3A_90 : f32 to vector<200x128xf32>
    %logistic3A_92 = arith.addf %logistic3A_91, %logistic3A_89 : vector<200x128xf32>
    %logistic3A_93 = arith.divf %logistic3A_91, %logistic3A_92 : vector<200x128xf32>
    %mul3A_94 = arith.mulf %add3A_87, %logistic3A_93 : vector<200x128xf32>
    %get3A_95 = arith.constant 0 : index
    %get3A_96 = arith.constant 0 : index
    %get3A_97 = vector.load %arg12[%get3A_95, %get3A_96] : memref<128x128xf32, #tpu.memory_space<vmem>>, vector<128x128xf32>
    %dot_general3A_98 = arith.constant dense<0.000000e+00> : vector<200x128xf32>
    %dot_general3A_99 = tpu.matmul %mul3A_94, %get3A_97, %dot_general3A_98 {dimension_numbers = #tpu.dot_dimension_numbers<[1], [0], [0], [1], [0, 0, 1, 1], [], []>, transpose_lhs_hint = false} : vector<200x128xf32>, vector<128x128xf32>, vector<200x128xf32> -> vector<200x128xf32>
    %get3A_100 = arith.constant 0 : index
    %get3A_101 = vector.load %arg13[%get3A_100] : memref<128xf32, #tpu.memory_space<vmem>>, vector<128xf32>
    %broadcast_in_dim3A_102 = vector.shape_cast %get3A_101 : vector<128xf32> to vector<1x128xf32>
    %add3A_103 = vector.broadcast %broadcast_in_dim3A_102 : vector<1x128xf32> to vector<200x128xf32>
    %add3A_104 = arith.addf %dot_general3A_99, %add3A_103 : vector<200x128xf32>
    %logistic3A_105 = arith.negf %add3A_104 : vector<200x128xf32>
    %logistic3A_106 = math.exp %logistic3A_105 : vector<200x128xf32>
    %logistic3A_107 = arith.constant 1.000000e+00 : f32
    %logistic3A_108 = vector.broadcast %logistic3A_107 : f32 to vector<200x128xf32>
    %logistic3A_109 = arith.addf %logistic3A_108, %logistic3A_106 : vector<200x128xf32>
    %logistic3A_110 = arith.divf %logistic3A_108, %logistic3A_109 : vector<200x128xf32>
    %mul3A_111 = arith.mulf %add3A_104, %logistic3A_110 : vector<200x128xf32>
    %get3A_112 = arith.constant 0 : index
    %get3A_113 = arith.constant 0 : index
    %get3A_114 = vector.load %arg14[%get3A_112, %get3A_113] : memref<128x3xf32, #tpu.memory_space<vmem>>, vector<128x3xf32>
    %dot_general3A_115 = arith.constant dense<0.000000e+00> : vector<200x3xf32>
    %dot_general3A_116 = tpu.matmul %mul3A_111, %get3A_114, %dot_general3A_115 {dimension_numbers = #tpu.dot_dimension_numbers<[1], [0], [0], [1], [0, 0, 1, 1], [], []>, transpose_lhs_hint = false} : vector<200x128xf32>, vector<128x3xf32>, vector<200x3xf32> -> vector<200x3xf32>
    %get3A_117 = arith.constant 0 : index
    %get3A_118 = vector.load %arg15[%get3A_117] : memref<3xf32, #tpu.memory_space<vmem>>, vector<3xf32>
    %broadcast_in_dim3A_119 = vector.shape_cast %get3A_118 : vector<3xf32> to vector<1x3xf32>
    %add3A_120 = vector.broadcast %broadcast_in_dim3A_119 : vector<1x3xf32> to vector<200x3xf32>
    %add3A_121 = arith.addf %dot_general3A_116, %add3A_120 : vector<200x3xf32>
    %convert_element_type3A_122 = arith.truncf %add3A_121 : vector<200x3xf32> to vector<200x3xbf16>
    %convert_element_type3A_123 = arith.extf %convert_element_type3A_122 : vector<200x3xbf16> to vector<200x3xf32>
    %sub3A = arith.subf %add3A_121, %convert_element_type3A_123 : vector<200x3xf32>
    %convert_element_type3A_124 = arith.truncf %sub3A : vector<200x3xf32> to vector<200x3xbf16>
    %broadcast_in_dim3A_125 = arith.constant 0.000000e+00 : bf16
    %broadcast_in_dim3A_126 = vector.broadcast %broadcast_in_dim3A_125 : bf16 to vector<200x2xbf16>
    %concatenate3A = tpu.concatenate %convert_element_type3A_122, %convert_element_type3A_124, %broadcast_in_dim3A_126 in 1 : vector<200x3xbf16>, vector<200x3xbf16>, vector<200x2xbf16> -> vector<200x8xbf16>
    %dot_general3A_127 = arith.constant dense<0.000000e+00> : vector<8x10000xf32>
    %dot_general3A_128 = tpu.matmul %concatenate3A, %select_n3A_18, %dot_general3A_127 {dimension_numbers = #tpu.dot_dimension_numbers<[0], [0], [1], [1], [0, 1, 1, 1], [], []>, transpose_lhs_hint = false} : vector<200x8xbf16>, vector<200x10000xbf16>, vector<8x10000xf32> -> vector<8x10000xf32>
    %slice3A_129 = vector.extract_strided_slice %dot_general3A_128 {offsets = [0, 0], sizes = [3, 10000], strides = [1, 1]} : vector<8x10000xf32> to vector<3x10000xf32>
    %slice3A_130 = vector.extract_strided_slice %dot_general3A_128 {offsets = [3, 0], sizes = [3, 10000], strides = [1, 1]} : vector<8x10000xf32> to vector<3x10000xf32>
    %add3A_131 = arith.addf %slice3A_129, %slice3A_130 : vector<3x10000xf32>
    %swap3A = arith.constant 0 : index
    %swap3A_132 = arith.constant 0 : index
    %swap3A_133 = vector.load %arg16[%swap3A, %swap3A_132] : memref<3x10000xf32, #tpu.memory_space<vmem>>, vector<3x10000xf32>
    tpu.vector_store %arg16[%swap3A, %swap3A_132], %add3A_131 {strides = array<i32>} : memref<3x10000xf32, #tpu.memory_space<vmem>>, vector<3x10000xf32>,
    return
  }
}

module attributes {stable_mosaic.version = 14 : i64} {
  func.func @_possum_body(%arg0: memref<10000xi32, #tpu.memory_space<vmem>>, %arg1: memref<3x10000xf32, #tpu.memory_space<vmem>>, %arg2: memref<8x200xf32, #tpu.memory_space<vmem>>) attributes {dimension_semantics = [], scalar_prefetch = 0 : i64, scratch_operands = 0 : i64, tpu.core_type = #tpu.core_type<tc>} {
    %get3A = arith.constant 0 : index
    %get3A_0 = vector.load %arg0[%get3A] : memref<10000xi32, #tpu.memory_space<vmem>>, vector<10000xi32>
    %convert_element_type3A = arith.sitofp %get3A_0 : vector<10000xi32> to vector<10000xbf16>
    %iota3A = tpu.iota {dimensions = array<i32: 0>} : vector<200x1xi32>
    %convert_element_type3A_1 = arith.sitofp %iota3A : vector<200x1xi32> to vector<200x1xbf16>
    %broadcast_in_dim3A = vector.shape_cast %convert_element_type3A : vector<10000xbf16> to vector<1x10000xbf16>
    %eq3A = vector.broadcast %broadcast_in_dim3A : vector<1x10000xbf16> to vector<200x10000xbf16>
    %eq3A_2 = vector.broadcast %convert_element_type3A_1 : vector<200x1xbf16> to vector<200x10000xbf16>
    %eq3A_3 = arith.cmpf oeq, %eq3A, %eq3A_2 : vector<200x10000xbf16>
    %jit3A = arith.constant 1.000000e+00 : bf16
    %jit3A_4 = arith.constant 0.000000e+00 : bf16
    %broadcast_in_dim3A_5 = vector.broadcast %jit3A : bf16 to vector<200x10000xbf16>
    %broadcast_in_dim3A_6 = vector.broadcast %jit3A_4 : bf16 to vector<200x10000xbf16>
    %select_n3A = arith.select %eq3A_3, %broadcast_in_dim3A_5, %broadcast_in_dim3A_6 : vector<200x10000xi1>, vector<200x10000xbf16>
    %get3A_7 = arith.constant 0 : index
    %get3A_8 = arith.constant 0 : index
    %get3A_9 = vector.load %arg1[%get3A_7, %get3A_8] : memref<3x10000xf32, #tpu.memory_space<vmem>>, vector<3x10000xf32>
    %convert_element_type3A_10 = arith.truncf %get3A_9 : vector<3x10000xf32> to vector<3x10000xbf16>
    %convert_element_type3A_11 = arith.extf %convert_element_type3A_10 : vector<3x10000xbf16> to vector<3x10000xf32>
    %sub3A = arith.subf %get3A_9, %convert_element_type3A_11 : vector<3x10000xf32>
    %convert_element_type3A_12 = arith.truncf %sub3A : vector<3x10000xf32> to vector<3x10000xbf16>
    %broadcast_in_dim3A_13 = arith.constant 0.000000e+00 : bf16
    %broadcast_in_dim3A_14 = vector.broadcast %broadcast_in_dim3A_13 : bf16 to vector<2x10000xbf16>
    %concatenate3A = tpu.concatenate %convert_element_type3A_10, %convert_element_type3A_12, %broadcast_in_dim3A_14 in 0 : vector<3x10000xbf16>, vector<3x10000xbf16>, vector<2x10000xbf16> -> vector<8x10000xbf16>
    %dot_general3A = arith.constant dense<0.000000e+00> : vector<8x200xf32>
    %dot_general3A_15 = tpu.matmul %concatenate3A, %select_n3A, %dot_general3A {dimension_numbers = #tpu.dot_dimension_numbers<[1], [1], [0], [0], [0, 0, 1, 0], [], []>, transpose_lhs_hint = false} : vector<8x10000xbf16>, vector<200x10000xbf16>, vector<8x200xf32> -> vector<8x200xf32>
    %swap3A = arith.constant 0 : index
    %swap3A_16 = arith.constant 0 : index
    %swap3A_17 = vector.load %arg2[%swap3A, %swap3A_16] : memref<8x200xf32, #tpu.memory_space<vmem>>, vector<8x200xf32>
    tpu.vector_store %arg2[%swap3A, %swap3A_16], %dot_general3A_15 {strides = array<i32>} : memref<8x200xf32, #tpu.memory_space<vmem>>, vector<8x200xf32>,
    return
  }
}

</mosaic_0001>

<sc_bundles>
// kernel: kernel.5.cloned.1.call-start
scs
__scs_entry_jumppad:
0x0: {  	(pc) =	sbr.rel $0x88, $3  }
0x1: {  	(tag) =	ssettag $0x0;
	lr =	simm.s32 $0x1  }
0x2: {  	[smem:$0x3F91] =	sst lr;
	_ =	strace $0xD0000000  }
0x3: {  	_ = 	snop  }
0x4: {  	_ = 	snop  }
0x5: {  	_ = 	snop  }
0x6: {  	_ = 	snop  }
0x7: {  	_ = 	snop  }
__scs_overlays_trampoline_lowered:
0x8: {  	[smem:$0x3FA0] =	sst s0  }
0x9: {  	[smem:$0x3FA1] =	sst s1  }
0xa: {  	[smem:$0x3FA2] =	sst s2  }
0xb: {  	[smem:$0x3FA3] =	sst s3  }
0xc: {  	[smem:$0x3FA4] =	sst s4  }
0xd: {  	[smem:$0x3FA5] =	sst s5  }
0xe: {  	[smem:$0x3FA6] =	sst s6  }
0xf: {  	[smem:$0x3FA7] =	sst s7  }
0x10: {  	[smem:$0x3FA8] =	sst s8  }
0x11: {  	[smem:$0x3FA9] =	sst s9;
	s0 =	simm.s32 @!p0 $0x0  }
0x12: {  	s1 =	sld [smem:$0x3F8F];
	s0 =	simm.s32 @p0 $0x1  }
0x13: {  	[smem:$0x3FAA] =	sst s0;
	s0 =	simm.s32 @!p1 $0x0  }
0x14: {  	s2 =	sld [smem:$0x3F8E];
	s0 =	simm.s32 @p1 $0x1  }
0x15: {  	[smem:$0x3FAB] =	sst s0;
	s0 =	simm.s32 @!p2 $0x0  }
0x16: {  	s3 =	sld [smem:$0x3FDB];
	s0 =	simm.s32 @p2 $0x1  }
0x17: {  	s4 =	simm.s32 $0x1BF5;
	[smem:$0x3FAD] =	sst s0  }
0x18: {  	s0 =	sld [smem:$0x3F90];
	_ =	swait.ge [sflag:s4], $0x0  }
0x19: {  	s7 =	sld [smem:$0x3F91]  }
0x1a: {  	s8 =	sadd.s32 $0xFFFFE003, lr  }
0x1b: {  	s9 =	sadd.s32 $0xFFFFFEF7, lr;
	s5 =	simm.s32 $0xFFFFFFFF;
	p2 =	slt.u32 s8, $0xFFFFF086  }
0x1c: {  	p1 =	slt.u32 s9, $0xF7A;
	s5 =	simm.s32 @!p2 $0x0  }
0x1d: {  	s5 =	simm.s32 @p1 $0x1;
	p0 =	seq.s32 s7, s2  }
0x1e: {  	s7 =	smul.u32 @!p0 $0xF7A, s2;
	p2 =	seq.s32 @!p0 s5, $0x0  }
0x1f: {  	s9 =	smul.u32 $0xF7A, s1;
	s8 =	simm.s32 @!p0 $0x1BF5;
	p2 =	por !p2, p0  }
0x20: {  	[sflag:s8] =	ssyncset.s32 @!p0 $0xFFFFF086;
	s6 =	sadd.s32 @!p0 s3, s7;
	s7 =	simm.s32 @!p0 $0x108  }
0x21: {  	s3 =	sadd.s32 s3, s9;
	s6 =	sadd.s32 @!p0 $0x88, s6;
	s7 =	simm.s32 @p2 $0x1082  }
0x22: {  	[simem:s7], [sflag:s8] =	dma.local @!p0 [hbm:s6], $0xF7A  }
0x23: {  	s9 =	sor.u32 $0xD0000000, s2;
	s6 =	simm.s32 $0x108;
	_ =	swait.ge @!p0 [sflag:s8], $0x0  }
0x24: {  	s3 =	sadd.s32 $0x88, s3;
	s6 =	simm.s32 @!p1 $0x1082;
	[sflag:s4] =	ssyncset.s32 $0xFFFFF086  }
0x25: {  	[simem:s6], [sflag:s4] =	dma.local [hbm:s3], $0xF7A  }
0x26: {  	[smem:$0x3F91] =	sst s1;
	(tag) =	ssettag s2;
	_ =	strace s9  }
0x27: {  	s1 =	sld [smem:$0x3FA1]  }
0x28: {  	s2 =	sld [smem:$0x3FA2]  }
0x29: {  	s4 =	sld [smem:$0x3FA4]  }
0x2a: {  	p0 =	seq.s32 s5, $0x0;
	s5 =	sld [smem:$0x3FA5]  }
0x2b: {  	s6 =	sld [smem:$0x3FA6]  }
0x2c: {  	s7 =	sld [smem:$0x3FA7]  }
0x2d: {  	s3 =	simm.s32 $0x108;
	s8 =	sld [smem:$0x3FA8]  }
0x2e: {  	s3 =	simm.s32 @!p0 $0x1082;
	s9 =	sld [smem:$0x3FA9]  }
0x2f: {  	lr =	sadd.s32 s0, s3;
	s0 =	sld [smem:$0x3FA0]  }
0x30: {  	s3 =	sld [smem:$0x3FA3]  }
0x31: {  	[smem:$0x3FAC] =	sst s10  }
0x32: {  	s10 =	sld [smem:$0x3FAA];
	_ =	sdelay $0x3  }
0x33: {  	p0 =	seq.s32 s10, $0x1;
	s10 =	sld [smem:$0x3FAC];
	_ =	sdelay $0x3  }
0x34: {  	[smem:$0x3FAC] =	sst s10  }
0x35: {  	s10 =	sld [smem:$0x3FAB];
	_ =	sdelay $0x3  }
0x36: {  	p1 =	seq.s32 s10, $0x1;
	s10 =	sld [smem:$0x3FAC];
	_ =	sdelay $0x3  }
0x37: {  	[smem:$0x3FAC] =	sst s10  }
0x38: {  	s10 =	sld [smem:$0x3FAD]  }
0x39: {  	_ = 	snop;
	(pc) =	sbr.ind lr, $3  }
0x3a: {  	_ = 	snop  }
0x3b: {  	_ = 	snop  }
0x3c: {  	p2 =	seq.s32 s10, $0x1;
	s10 =	sld [smem:$0x3FAC]  }
0x3d: {  	_ =	shalt  }
0x3e: {  	_ =	shalt  }
0x3f: {  	_ =	shalt  }
0x40: {  	_ =	shalt  }
0x41: {  	_ =	shalt  }
0x42: {  	_ =	shalt  }
0x43: {  	_ =	shalt  }
0x44: {  	_ =	shalt  }
0x45: {  	_ =	shalt  }
0x46: {  	_ =	shalt  }
0x47: {  	_ =	shalt  }
0x48: {  	_ =	shalt  }
0x49: {  	_ =	shalt  }
0x4a: {  	_ =	shalt  }
0x4b: {  	_ =	shalt  }
0x4c: {  	_ =	shalt  }
0x4d: {  	_ =	shalt  }
0x4e: {  	_ =	shalt  }
0x4f: {  	_ =	shalt  }
0x50: {  	_ =	shalt  }
0x51: {  	_ =	shalt  }
0x52: {  	_ =	shalt  }
0x53: {  	_ =	shalt  }
0x54: {  	_ =	shalt  }
0x55: {  	_ =	shalt  }
0x56: {  	_ =	shalt  }
0x57: {  	_ =	shalt  }
0x58: {  	_ =	shalt  }
0x59: {  	_ =	shalt  }
0x5a: {  	_ =	shalt  }
0x5b: {  	_ =	shalt  }
0x5c: {  	_ =	shalt  }
0x5d: {  	_ =	shalt  }
0x5e: {  	_ =	shalt  }
0x5f: {  	_ =	shalt  }
0x60: {  	_ =	shalt  }
0x61: {  	_ =	shalt  }
0x62: {  	_ =	shalt  }
0x63: {  	_ =	shalt  }
0x64: {  	_ =	shalt  }
0x65: {  	_ =	shalt  }
0x66: {  	_ =	shalt  }
0x67: {  	_ =	shalt  }
0x68: {  	_ =	shalt  }
0x69: {  	_ =	shalt  }
0x6a: {  	_ =	shalt  }
0x6b: {  	_ =	shalt  }
0x6c: {  	_ =	shalt  }
0x6d: {  	_ =	shalt  }
0x6e: {  	_ =	shalt  }
0x6f: {  	_ =	shalt  }
0x70: {  	_ =	shalt  }
0x71: {  	_ =	shalt  }
0x72: {  	_ =	shalt  }
0x73: {  	_ =	shalt  }
0x74: {  	_ =	shalt  }
0x75: {  	_ =	shalt  }
0x76: {  	_ =	shalt  }
0x77: {  	_ =	shalt  }
0x78: {  	_ =	shalt  }
0x79: {  	_ =	shalt  }
0x7a: {  	_ =	shalt  }
0x7b: {  	_ =	shalt  }
0x7c: {  	_ =	shalt  }
0x7d: {  	_ =	shalt  }
0x7e: {  	_ =	shalt  }
0x7f: {  	_ =	shalt  }
0x80: {  	_ =	shalt  }
0x81: {  	_ =	shalt  }
0x82: {  	_ =	shalt  }
0x83: {  	_ =	shalt  }
0x84: {  	_ =	shalt  }
0x85: {  	_ =	shalt  }
0x86: {  	_ =	shalt  }
0x87: {  	_ =	shalt  }
.Lfunc_end0:
.L_simem_size_0:
called_computation_lowered:
.L_overlay_start_0:
0x88: {  	s0 =	sld [smem:$0x3FD9]  }
0x89: {  	s1 =	sld [smem:$0x3FFE];
	_ =	sdelay $0x3  }
0x8a: {  	s0 =	sadd.s32 s1, s0  }
0x8b: {  	[smem:$0x3FB8] =	sst s0  }
0x8c: {  	_ = 	snop  }
0x8d: {  	s0 =	sld [smem:$0x3FC8]  }
0x8e: {  	s17 =	sld [smem:$0x3FC7]  }
0x8f: {  	s2 =	sld [smem:$0x3FD0];
	(tm) =	ssettm $0x1  }
0x90: {  	s3 =	sld [smem:$0x3FFB];
	_ =	sdelay $0x3  }
0x91: {  	_ =	strace s3  }
0x92: {  	s3 =	sld [smem:$0x3FFC];
	_ =	sdelay $0x3  }
0x93: {  	_ =	strace s3  }
0x94: {  	s3 =	sld [smem:$0x3FFD];
	_ =	sdelay $0x3  }
0x95: {  	_ =	strace s3  }
0x96: {  	_ =	strace $0x8FFFFFFF  }
0x97: {  	s18 =	sld [smem:$0x3FDB];
	_ =	sdelay $0x1  }
0x98: {  	s4 =	simm.s32 $_scs_section_size  }
0x99: {  	s5 =	simm.s32 $_size__tile_overlayer_lowered;
	s6 =	simm.s32 $_tile_overlayer_lowered  }
0x9a: {  	s21 =	simm.s32 $0x1BFF;
	s20 =	sshll.u32 s6, $0x1;
	s3 =	sadd.s32 s4, s18  }
0x9b: {  	s7 =	simm.s32 $0x0;
	s19 =	sshll.u32 s5, $0x1;
	s5 =	sadd.s32 s20, s3  }
0x9c: {  	[timem:s7], [sflag:s21] =	dma.local [hbm:s5], s19  }
0x9d: {  	_ =	swait.ge [sflag:s21], s19  }
0x9e: {  	s4 =	ssub.s32 $0x0, s19;
	[sflag:s21] =	ssyncset.done $0x0  }
0x9f: {  	[sflag:s21] =	ssyncadd.s32 s4;
	_ =	sdelay $0x1  }
0xa0: {  	s22 =	simm.s32 $0x1B8B  }
0xa1: {  	_ =	swait.ge [sflag:s22], $0x1  }
0xa2: {  	[sflag:s22] =	ssyncset.done $0x0  }
0xa3: {  	s23 =	simm.s32 $0x1B8E;
	[sflag:s22] =	ssyncadd.s32 $0xFFFFFFFF  }
0xa4: {  	s24 =	simm.s32 $execute0_lowered;
	[smem:$0x3FD2] =	sst s23  }
0xa5: {  	s4 =	sshll.u32 s24, $0x1;
	_ =	strace $0x80000046;
	[dreg:$0x1] =	wrdreg $0xFFFFFFFF  }
0xa6: {  	s25 =	simm.s32 $_size_execute0_lowered;
	s3 =	sadd.s32 s3, s4;
	[dreg:$0x0] =	wrdreg $0x0  }
0xa7: {  	s4 =	sshll.u32 s25, $0x1;
	[dreg:$0x2] =	wrdreg s3  }
0xa8: {  	[dreg:$0x3] =	wrdreg s4  }
0xa9: {  	[dreg:$0x4] =	wrdreg $0xC0  }
0xaa: {  	_ =	task [dreg:s7], $0x5FFFF  }
0xab: {  	[dreg:$0x1] =	wrdreg $0xFFFFFFFF  }
0xac: {  	[dreg:$0x0] =	wrdreg $0x60  }
0xad: {  	[dreg:$0x2] =	wrdreg s17  }
0xae: {  	[dreg:$0x3] =	wrdreg s0  }
0xaf: {  	[dreg:$0x4] =	wrdreg s2  }
0xb0: {  	[dreg:$0x5] =	wrdreg $0x14800  }
0xb1: {  	[dreg:$0x6] =	wrdreg $0x9  }
0xb2: {  	_ =	task.clear_ibuf [dreg:s7], $0x7FFFF;
	_ =	strace $0x90000046  }
0xb3: {  	s26 =	simm.s32 $0x9;
	_ =	strace $0x80000048  }
0xb4: {  	_ =	swait.ge [sflag:s26], $0x1  }
0xb5: {  	[sflag:s26] =	ssyncadd.s32 $0xFFFFFFFF  }
0xb6: {  	_ =	strace $0x90000048  }
0xb7: {  	_ =	sfence  }
0xb8: {  	s28 =	sld [smem:$0x0];
	_ =	sdelay $0x1  }
0xb9: {  	s29 =	srdreg.scid  }
0xba: {  	s30 =	sshll.u32 s29, $0xD;
	s31 =	sshrl.u32 s29, $0x2  }
0xbb: {  	s1 =	sand.u32 $0x1, s29;
	s2 =	sand.u32 $0x4000, s30;
	s0 =	sadd.s32 s31, s28  }
0xbc: {  	s1 =	sor.u32 s2, s1;
	s0 =	sshll.u32 s0, $0x11  }
0xbd: {  	s0 =	sor.u32 s0, s1  }
0xbe: {  	s0 =	sadd.s32 $0x8F2B, s0  }
0xbf: {  	[sflag:s0] =	ssyncadd.remote.s32 $0x1  }
0xc0: {  	_ =	sfence.sel $0xFFFF  }
0xc1: {  	[dreg:$0x0] =	wrdreg $0xFFFFFFFF;
	(pc) =	sbr.abs _section_cstart, $3  }
0xc2: {  	[dreg:$0x1] =	wrdreg $0xFFFFFFFF  }
0xc3: {  	_ =	task.clear_ibuf [dreg:s7], $0x2FFFF;
	_ =	strace $0x9FFFFFFF  }
0xc4: {  	(tm) =	ssettm $0x7FFFFFFF  }
0xc5: {  	_ =	shalt  }
tec
execute0_lowered:
.L_overlay_start_1:
0x0: {  	(tag) =	ssettag $0x1  }
0x1: {  	s4 =	rddreg [dreg:$0x0]  }
0x2: {  	s6 =	rddreg [dreg:$0x1]  }
0x3: {  	s1 =	rddreg [dreg:$0x2]  }
0x4: {  	s2 =	rddreg [dreg:$0x3];
	s3 =	simm.s32 $0x0  }
0x5: {  	[smem:$0x7FF] =	sst s3;
	s3 =	stileid.u32  }
0x6: {  	s0 =	rddreg [dreg:$0x4];
	_ =	strace $0x80000047;
	p0 =	seq.s32 s3, $0xF  }
0x7: {  	s5 =	smul.u32 $0x280, s3;
	s7 =	sadd.s32 @p0 $0x4B0, s4;
	s8 =	simm.s32 @p0 $0x0  }
0x8: {  	[tilespmem:s8], [sflag:$0x1] =	stream.linear.gather @p0 [hbm4b:s7+s8], $0x190, $0x38;
	[tilespmem:$0x1DC0] =	vst v63  }
0x9: {  	s31 =	smul.u32 $0x1900, s3;
	s9 =	sadd.s32 @p0 $0x4B0, s6;
	s10 =	simm.s32 @p0 $0x300  }
0xa: {  	[tilespmem:s10], [sflag:$0x1] =	stream.linear.gather @p0 [hbm4b:s9+s8], $0x190, $0x38;
	[tilespmem:$0x1DC0] =	vst v63  }
0xb: {  	s7 =	sshrl.u32 s31, $0x2;
	s8 =	sshrl.u32 @!p0 s5, $0x3  }
0xc: {  	s7 =	sadd.s32 s7, s2;
	s9 =	simm.s32 @!p0 $0x0;
	s4 =	sadd.s32 @!p0 s4, s8  }
0xd: {  	[tilespmem:s9], [sflag:$0x1] =	stream.linear.gather @!p0 [hbm4b:s4+s9], $0x280, $0x38;
	[tilespmem:$0x1DC0] =	vst v63  }
0xe: {  	s6 =	sadd.s32 @!p0 s6, s8;
	s8 =	simm.s32 @!p0 $0x300;
	s4 =	smul.u32 $0x300, s3  }
0xf: {  	[tilespmem:s8], [sflag:$0x1] =	stream.linear.gather @!p0 [hbm4b:s6+s9], $0x280, $0x38;
	[tilespmem:$0x1DC0] =	vst v63  }
0x10: {  	v0 =	vimm.f32 $0.0e+00;
	s6 =	sadd.s32 $0x6400, s4;
	s8 =	simm.s32 $0x40;
	s9 =	simm.s32 $0x0  }
.LBB2_1:
0x11: {  	p1 =	sne.s32 s8, $0x18C0;
	[tilespmem:s9+$0xE00] =	vst v0;
	s9 =	smov.u32 s8;
	s8 =	sadd.s32 $0x40, s8  }
.Ltmp0:
0x12: {  	(pc) =	sbr.rel @p1 .LBB2_1-.Ltmp0, $2  }
0x13: {  	_ =	sdelay $0x2  }
0x14: {  	s9 =	sshra.s32 s9, $0x2  }
0x15: {  	[tilespmem:s9+$0xE00] =	vst v0;
	s8 =	simm.s32 $0xE00;
	s31 =	simm.s32 $0x3  }
0x16: {  	[spmem:s7] =	stream.linear.scatter [tilespmem:s8], [sflag:$0x3], $0x640, $0x38;
	[tilespmem:$0x1DC0] =	vst v63  }
0x17: {  	_ =	swait.ge [sflag:s31], $0x640  }
0x18: {  	[sflag:s31] =	ssyncset.done $0x0  }
0x19: {  	s7 =	simm.s32 @p0 $0x1;
	[sflag:s31] =	ssyncadd.s32 $0xFFFFF9C0  }
0x1a: {  	_ =	swait.ge @p0 [sflag:s7], $0x190  }
0x1b: {  	[sflag:s7] =	ssyncset.done @p0 $0x0  }
0x1c: {  	[sflag:s7] =	ssyncadd.s32 @p0 $0xFFFFFE70  }
0x1d: {  	_ =	swait.ge @p0 [sflag:s7], $0x190  }
0x1e: {  	[sflag:s7] =	ssyncset.done @p0 $0x0  }
0x1f: {  	[sflag:s7] =	ssyncadd.s32 @p0 $0xFFFFFE70;
	s7 =	simm.s32 @!p0 $0x1  }
0x20: {  	_ =	swait.ge @!p0 [sflag:s7], $0x280  }
0x21: {  	[sflag:s7] =	ssyncset.done @!p0 $0x0  }
0x22: {  	[sflag:s7] =	ssyncadd.s32 @!p0 $0xFFFFFD80  }
0x23: {  	_ =	swait.ge @!p0 [sflag:s7], $0x280  }
0x24: {  	[sflag:s7] =	ssyncset.done @!p0 $0x0  }
0x25: {  	[sflag:s7] =	ssyncadd.s32 @!p0 $0xFFFFFD80;
	s7 =	simm.s32 $0x0  }
0x26: {  	v2 =	vld [tilespmem:s7+$0x0]  }
0x27: {  	v3 =	vld [tilespmem:s7+$0x300];
	_ =	sdelay $0x1  }
0x28: {  	v1 =	vimm.f32 $1.000000000e+00  }
0x29: {  	v0 =	vlaneseq.u32;
	s9 =	simm.s32 $0x40;
	s8 =	smov.u32 s5;
	[tilespmem:s7+$0xA00] =	vst v1  }
.LBB2_3:
0x2a: {  	s10 =	sshra.s32 s9, $0x2;
	p0 =	sne.s32 s9, $0x1C0;
	s9 =	sadd.s32 $0x40, s9;
	v4 =	vshll.u32 v2, $0x7  }
.Ltmp1:
0x2b: {  	p1 =	slt.u32 s8, $0x2710;
	v5 =	vor.u32 s6, v0;
	v2 =	vld [tilespmem:s10+$0x0];
	[tilespmem:s10+$0xA00] =	vst v1;
	v4 =	vadd.s32 v3, v4;
	(pc) =	sbr.rel @p0 .LBB2_3-.Ltmp1, $3  }
0x2c: {  	v3 =	vld [tilespmem:s10+$0x300];
	v4 =	vpsel p1, v4, v5  }
0x2d: {  	[tilespmem:s7+$0x600] =	vst v4;
	s7 =	smov.u32 s10;
	_ =	sdelay $0x1  }
0x2e: {  	s6 =	sadd.s32 $0x10, s6;
	s8 =	sadd.s32 $0x10, s8  }
0x2f: {  	v1 =	vshll.u32 v2, $0x7  }
0x30: {  	p0 =	slt.u32 s8, $0x2710;
	v0 =	vor.u32 s6, v0;
	v1 =	vadd.s32 v3, v1  }
0x31: {  	v0 =	vpsel p0, v1, v0  }
0x32: {  	s6 =	simm.s32 $0x0;
	[tilespmem:s7+$0x600] =	vst v0  }
0x33: {  	v2 =	vld [tilespmem:s6+$0x80]  }
0x34: {  	v3 =	vld [tilespmem:s6+$0x380];
	_ =	sdelay $0x1  }
0x35: {  	v0 =	vimm.f32 $1.000000000e+00  }
0x36: {  	s8 =	sadd.s32 $0x80, s5;
	s9 =	simm.s32 $0x40;
	v1 =	vlaneseq.u32;
	s7 =	sadd.s32 $0x6480, s4;
	[tilespmem:s6+$0xA80] =	vst v0  }
.LBB2_5:
0x37: {  	s10 =	sshra.s32 s9, $0x2;
	p0 =	sne.s32 s9, $0x1C0;
	s9 =	sadd.s32 $0x40, s9;
	v4 =	vshll.u32 v2, $0x7  }
.Ltmp2:
0x38: {  	p1 =	slt.u32 s8, $0x2710;
	v5 =	vor.u32 s7, v1;
	v2 =	vld [tilespmem:s10+$0x80];
	[tilespmem:s10+$0xA80] =	vst v0;
	v4 =	vadd.s32 v3, v4;
	(pc) =	sbr.rel @p0 .LBB2_5-.Ltmp2, $3  }
0x39: {  	v3 =	vld [tilespmem:s10+$0x380];
	v4 =	vpsel p1, v4, v5  }
0x3a: {  	[tilespmem:s6+$0x680] =	vst v4;
	s6 =	smov.u32 s10;
	_ =	sdelay $0x1  }
0x3b: {  	s8 =	sadd.s32 $0x10, s8;
	s7 =	sadd.s32 $0x10, s7  }
0x3c: {  	v0 =	vshll.u32 v2, $0x7  }
0x3d: {  	p0 =	slt.u32 s8, $0x2710;
	v1 =	vor.u32 s7, v1;
	v0 =	vadd.s32 v3, v0  }
0x3e: {  	v0 =	vpsel p0, v0, v1  }
0x3f: {  	[tilespmem:s6+$0x680] =	vst v0;
	s6 =	simm.s32 $0x0  }
0x40: {  	v2 =	vld [tilespmem:s6+$0x100]  }
0x41: {  	v3 =	vld [tilespmem:s6+$0x400];
	_ =	sdelay $0x1  }
0x42: {  	v0 =	vimm.f32 $1.000000000e+00  }
0x43: {  	s7 =	sadd.s32 $0x6500, s4;
	s8 =	sadd.s32 $0x100, s5;
	s9 =	simm.s32 $0x40;
	v1 =	vlaneseq.u32;
	[tilespmem:s6+$0xB00] =	vst v0  }
.LBB2_7:
0x44: {  	s10 =	sshra.s32 s9, $0x2;
	p0 =	sne.s32 s9, $0x1C0;
	s9 =	sadd.s32 $0x40, s9;
	v4 =	vshll.u32 v2, $0x7  }
.Ltmp3:
0x45: {  	p1 =	slt.u32 s8, $0x2710;
	v5 =	vor.u32 s7, v1;
	v2 =	vld [tilespmem:s10+$0x100];
	[tilespmem:s10+$0xB00] =	vst v0;
	v4 =	vadd.s32 v3, v4;
	(pc) =	sbr.rel @p0 .LBB2_7-.Ltmp3, $3  }
0x46: {  	v3 =	vld [tilespmem:s10+$0x400];
	v4 =	vpsel p1, v4, v5  }
0x47: {  	[tilespmem:s6+$0x700] =	vst v4;
	s6 =	smov.u32 s10;
	_ =	sdelay $0x1  }
0x48: {  	s7 =	sadd.s32 $0x10, s7;
	s8 =	sadd.s32 $0x10, s8  }
0x49: {  	v0 =	vshll.u32 v2, $0x7  }
0x4a: {  	p0 =	slt.u32 s8, $0x2710;
	v1 =	vor.u32 s7, v1;
	v0 =	vadd.s32 v3, v0  }
0x4b: {  	v0 =	vpsel p0, v0, v1  }
0x4c: {  	[tilespmem:s6+$0x700] =	vst v0;
	s6 =	simm.s32 $0x0  }
0x4d: {  	v2 =	vld [tilespmem:s6+$0x180]  }
0x4e: {  	v3 =	vld [tilespmem:s6+$0x480];
	_ =	sdelay $0x1  }
0x4f: {  	v0 =	vimm.f32 $1.000000000e+00  }
0x50: {  	s7 =	sadd.s32 $0x6580, s4;
	s8 =	sadd.s32 $0x180, s5;
	s9 =	simm.s32 $0x40;
	v1 =	vlaneseq.u32;
	[tilespmem:s6+$0xB80] =	vst v0  }
.LBB2_9:
0x51: {  	s10 =	sshra.s32 s9, $0x2;
	p0 =	sne.s32 s9, $0x1C0;
	s9 =	sadd.s32 $0x40, s9;
	v4 =	vshll.u32 v2, $0x7  }
.Ltmp4:
0x52: {  	p1 =	slt.u32 s8, $0x2710;
	v5 =	vor.u32 s7, v1;
	v2 =	vld [tilespmem:s10+$0x180];
	[tilespmem:s10+$0xB80] =	vst v0;
	v4 =	vadd.s32 v3, v4;
	(pc) =	sbr.rel @p0 .LBB2_9-.Ltmp4, $3  }
0x53: {  	v3 =	vld [tilespmem:s10+$0x480];
	v4 =	vpsel p1, v4, v5  }
0x54: {  	[tilespmem:s6+$0x780] =	vst v4;
	s6 =	smov.u32 s10;
	_ =	sdelay $0x1  }
0x55: {  	s7 =	sadd.s32 $0x10, s7;
	s8 =	sadd.s32 $0x10, s8  }
0x56: {  	v0 =	vshll.u32 v2, $0x7  }
0x57: {  	p0 =	slt.u32 s8, $0x2710;
	v1 =	vor.u32 s7, v1;
	v0 =	vadd.s32 v3, v0  }
0x58: {  	v0 =	vpsel p0, v0, v1  }
0x59: {  	[tilespmem:s6+$0x780] =	vst v0;
	s6 =	simm.s32 $0x0  }
0x5a: {  	v2 =	vld [tilespmem:s6+$0x200]  }
0x5b: {  	v3 =	vld [tilespmem:s6+$0x500];
	_ =	sdelay $0x1  }
0x5c: {  	v0 =	vimm.f32 $1.000000000e+00  }
0x5d: {  	s7 =	sadd.s32 $0x6600, s4;
	s5 =	sadd.s32 $0x200, s5;
	s8 =	simm.s32 $0x40;
	v1 =	vlaneseq.u32;
	[tilespmem:s6+$0xC00] =	vst v0  }
.LBB2_11:
0x5e: {  	s9 =	sshra.s32 s8, $0x2;
	p0 =	sne.s32 s8, $0x1C0;
	s8 =	sadd.s32 $0x40, s8;
	v4 =	vshll.u32 v2, $0x7  }
.Ltmp5:
0x5f: {  	p1 =	slt.u32 s5, $0x2710;
	v5 =	vor.u32 s7, v1;
	v2 =	vld [tilespmem:s9+$0x200];
	[tilespmem:s9+$0xC00] =	vst v0;
	v4 =	vadd.s32 v3, v4;
	(pc) =	sbr.rel @p0 .LBB2_11-.Ltmp5, $3  }
0x60: {  	v3 =	vld [tilespmem:s9+$0x500];
	v4 =	vpsel p1, v4, v5  }
0x61: {  	[tilespmem:s6+$0x800] =	vst v4;
	s6 =	smov.u32 s9;
	_ =	sdelay $0x1  }
0x62: {  	s7 =	sadd.s32 $0x10, s7;
	s5 =	sadd.s32 $0x10, s5  }
0x63: {  	v0 =	vshll.u32 v2, $0x7  }
0x64: {  	p0 =	slt.u32 s5, $0x2710;
	v1 =	vor.u32 s7, v1;
	v0 =	vadd.s32 v3, v0  }
0x65: {  	s9 =	sadd.s32 $0x6680, s4;
	v55 =	vlaneseq.u32;
	v0 =	vpsel p0, v0, v1  }
0x66: {  	v56 =	vor.u32 s9, v55;
	[tilespmem:s6+$0x800] =	vst v0  }
0x67: {  	v57 =	vimm.f32 $1.000000000e+00;
	s10 =	sadd.s32 $0x6690, s4;
	[tilespmem:$0x880] =	vst v56  }
0x68: {  	v58 =	vor.u32 s10, v55;
	[tilespmem:$0xC80] =	vst v57  }
0x69: {  	s11 =	sadd.s32 $0x66A0, s4;
	[tilespmem:$0x890] =	vst v58  }
0x6a: {  	v59 =	vor.u32 s11, v55;
	[tilespmem:$0xC90] =	vst v57  }
0x6b: {  	s12 =	sadd.s32 $0x66B0, s4;
	[tilespmem:$0x8A0] =	vst v59  }
0x6c: {  	v60 =	vor.u32 s12, v55;
	[tilespmem:$0xCA0] =	vst v57  }
0x6d: {  	s13 =	sadd.s32 $0x66C0, s4;
	[tilespmem:$0x8B0] =	vst v60  }
0x6e: {  	v61 =	vor.u32 s13, v55;
	[tilespmem:$0xCB0] =	vst v57  }
0x6f: {  	s14 =	sadd.s32 $0x66D0, s4;
	[tilespmem:$0x8C0] =	vst v61  }
0x70: {  	v62 =	vor.u32 s14, v55;
	[tilespmem:$0xCC0] =	vst v57  }
0x71: {  	s15 =	sadd.s32 $0x66E0, s4;
	[tilespmem:$0x8D0] =	vst v62  }
0x72: {  	v63 =	vor.u32 s15, v55;
	[tilespmem:$0xCD0] =	vst v57  }
0x73: {  	s16 =	sadd.s32 $0x66F0, s4;
	[tilespmem:$0x8E0] =	vst v63  }
0x74: {  	v1 =	vor.u32 s16, v55;
	[tilespmem:$0xCE0] =	vst v57  }
0x75: {  	[tilespmem:$0x8F0] =	vst v1  }
0x76: {  	s17 =	simm.s32 $0x80;
	[tilespmem:$0xCF0] =	vst v57  }
0x77: {  	s18 =	simm.s32 $0x600;
	s19 =	simm.s32 $0xA00;
	[bflag:$0x0] =	sbarrier.arrive $0xFFFF  }
0x78: {  	[spmem:s2] =	stream.indirect.scatter.add.f32 [tilespmem:s19], [sflag:$0x2], $0x1, s18, s17, $0xb8;
	[tilespmem:$0x1DC0] =	vst v63  }
0x79: {  	s20 =	simm.s32 $0x680;
	s21 =	simm.s32 $0xA80  }
0x7a: {  	[spmem:s2] =	stream.indirect.scatter.add.f32 [tilespmem:s21], [sflag:$0x2], $0x1, s20, s17, $0xb8;
	[tilespmem:$0x1DC0] =	vst v63  }
0x7b: {  	s22 =	simm.s32 $0x700;
	s23 =	simm.s32 $0xB00  }
0x7c: {  	[spmem:s2] =	stream.indirect.scatter.add.f32 [tilespmem:s23], [sflag:$0x2], $0x1, s22, s17, $0xb8;
	[tilespmem:$0x1DC0] =	vst v63  }
0x7d: {  	s24 =	simm.s32 $0x780;
	s25 =	simm.s32 $0xB80  }
0x7e: {  	[spmem:s2] =	stream.indirect.scatter.add.f32 [tilespmem:s25], [sflag:$0x2], $0x1, s24, s17, $0xb8;
	[tilespmem:$0x1DC0] =	vst v63  }
0x7f: {  	s26 =	simm.s32 $0x800;
	s28 =	simm.s32 $0xC00  }
0x80: {  	[spmem:s2] =	stream.indirect.scatter.add.f32 [tilespmem:s28], [sflag:$0x2], $0x1, s26, s17, $0xb8;
	[tilespmem:$0x1DC0] =	vst v63  }
0x81: {  	s29 =	simm.s32 $0x880;
	s30 =	simm.s32 $0xC80;
	s31 =	simm.s32 $0x2  }
0x82: {  	[spmem:s2] =	stream.indirect.scatter.add.f32 [tilespmem:s30], [sflag:$0x2], $0x1, s29, s17, $0xb8;
	[tilespmem:$0x1DC0] =	vst v63  }
0x83: {  	_ =	swait.ge [sflag:s31], $0x80  }
0x84: {  	[sflag:s31] =	ssyncset.done $0x0  }
0x85: {  	[sflag:s31] =	ssyncadd.s32 $0xFFFFFF80  }
0x86: {  	_ =	swait.ge [sflag:s31], $0x80  }
0x87: {  	[sflag:s31] =	ssyncset.done $0x0  }
0x88: {  	[sflag:s31] =	ssyncadd.s32 $0xFFFFFF80  }
0x89: {  	_ =	swait.ge [sflag:s31], $0x80  }
0x8a: {  	[sflag:s31] =	ssyncset.done $0x0  }
0x8b: {  	[sflag:s31] =	ssyncadd.s32 $0xFFFFFF80  }
0x8c: {  	_ =	swait.ge [sflag:s31], $0x80  }
0x8d: {  	[sflag:s31] =	ssyncset.done $0x0  }
0x8e: {  	[sflag:s31] =	ssyncadd.s32 $0xFFFFFF80  }
0x8f: {  	_ =	swait.ge [sflag:s31], $0x80  }
0x90: {  	[sflag:s31] =	ssyncset.done $0x0  }
0x91: {  	[sflag:s31] =	ssyncadd.s32 $0xFFFFFF80  }
0x92: {  	_ =	swait.ge [sflag:s31], $0x80  }
0x93: {  	[sflag:s31] =	ssyncset.done $0x0  }
0x94: {  	[sflag:s31] =	ssyncadd.s32 $0xFFFFFF80  }
0x95: {  	p0 =	sne.s32 s3, $0x0;
	[bflag:$0x0] =	sbarrier.arrive $0xFFFF  }
0x96: {  	_ =	sfence.sel @p0 $0x180000  }
0x97: {  	[bflag:$0x0] =	sbarrier.arrive @p0 $0xFFFF  }
0x98: {  	_ =	strace @p0 $0x90000047  }
0x99: {  	s3 =	simm.s32 @!p0 $0x1C03;
	s2 =	sshrl.u32 @!p0 s2, $0x3;
	[bflag:$0x2] =	sbarrier.arrive @p0 $0xFFFF  }
0x9a: {  	[hbm:s1], [sflag:s3] =	dma.local @!p0 [spmem:s2], $0x1280  }
0x9b: {  	s1 =	simm.s32 @!p0 $0x3  }
0x9c: {  	_ =	swait.ge @!p0 [sflag:s1], $0x1280  }
0x9d: {  	[sflag:s1] =	ssyncset.done @!p0 $0x0  }
0x9e: {  	[sflag:s1] =	ssyncadd.s32 @!p0 $0xFFFFED80  }
0x9f: {  	_ =	sfence.sel @!p0 $0x180000  }
0xa0: {  	[bflag:$0x0] =	sbarrier.arrive @!p0 $0xFFFF  }
0xa1: {  	_ =	strace @!p0 $0x90000047  }
0xa2: {  	s0 =	sadd.s32 @!p0 $0x100000, s0;
	[bflag:$0x2] =	sbarrier.arrive @!p0 $0xFFFF  }
0xa3: {  	[sflag:s0] =	ssyncadd.tile.s32 @!p0 $0x1;
	_ =	shalt  }
.Lfunc_end2:
_tile_overlayer_lowered:
.L_overlay_start_2:
0xa4: {  	(tag) =	ssettag $0x2  }
0xa5: {  	s0 =	rddreg [dreg:$0x0];
	s2 =	stileid.u32  }
0xa6: {  	s1 =	rddreg [dreg:$0x1];
	p0 =	sne.s32 s2, $0x0  }
0xa7: {  	s3 =	rddreg [dreg:$0x2];
	[bflag:$0x3] =	sbarrier.arrive $0xFFFF;
	s2 =	simm.s32 @!p0 $0x1C03  }
0xa8: {  	[timem:s3], [sflag:s2] =	dma.local @!p0 [hbm:s0], s1  }
0xa9: {  	s0 =	simm.s32 @!p0 $0x3  }
0xaa: {  	_ =	swait.ge @!p0 [sflag:s0], s1  }
0xab: {  	s1 =	ssub.s32 @!p0 $0x0, s1;
	[sflag:s0] =	ssyncset.done @!p0 $0x0  }
0xac: {  	[sflag:s0] =	ssyncadd.s32 @!p0 s1  }
0xad: {  	[bflag:$0x3] =	sbarrier.arrive $0xFFFF  }
0xae: {  	_ =	shalt  }

</sc_bundles>
